<compile_context>
chip_gen: v7x
topology: tpu7x:2x2x1
jax: 0.10.2.dev20260603
libtpu: 0.0.44.dev20260713+nightly
codegen_flags: <defaults>
</compile_context>

<pallas_src>
import functools

import jax
import jax.numpy as jnp
from jax import lax
from jax.experimental import pallas as pl
from jax.experimental.pallas import tpu as pltpu
from jax.experimental.pallas import tpu_sc as plsc

N_CODES = 1024
DIM = 256
N_STAGES = 4
BETA_C = 0.25
BL = 512
ROWS = 8192


def _vq_body(nsteps, z_ref, w_ref, zq_ref, idx_ref, loss_ref, ppl_ref,
             cnt_scr):
    i = pl.program_id(0)

    @pl.when(i == 0)
    def _init():
        loss_ref[...] = jnp.zeros_like(loss_ref)
        cnt_scr[...] = jnp.zeros_like(cnt_scr)

    w = w_ref[...]
    wsq = lax.dot_general(jnp.ones((1, DIM), jnp.float32), w * w,
                          (((1,), (1,)), ((), ())),
                          preferred_element_type=jnp.float32,
                          precision=lax.Precision.HIGHEST)
    w1 = w.astype(jnp.bfloat16)
    w2 = (w - w1.astype(jnp.float32)).astype(jnp.bfloat16)
    w3 = (w - w1.astype(jnp.float32) - w2.astype(jnp.float32)).astype(jnp.bfloat16)

    residual = z_ref[...]
    qsum = jnp.zeros((BL, DIM), jnp.float32)
    lsum = jnp.zeros((1, 1), jnp.float32)
    cnt = jnp.zeros((1, N_CODES), jnp.float32)
    idx_cols = []
    iota = lax.broadcasted_iota(jnp.int32, (BL, N_CODES), 1)
    for q in range(N_STAGES):
        s = lax.dot_general(residual, w, (((1,), (1,)), ((), ())),
                            preferred_element_type=jnp.float32)
        rsq = jnp.sum(residual * residual, axis=1, keepdims=True)
        dist = (rsq + wsq) - 2.0 * s
        dmin = jnp.min(dist, axis=1, keepdims=True)
        idxm = jnp.min(jnp.where(dist <= dmin, iota, N_CODES), axis=1,
                       keepdims=True)
        oh = (iota == idxm).astype(jnp.float32)
        cnt = cnt + jnp.sum(oh, axis=0, keepdims=True)
        ohb = oh.astype(jnp.bfloat16)
        zqd = (lax.dot_general(ohb, w1, (((1,), (0,)), ((), ())),
                               preferred_element_type=jnp.float32)
               + lax.dot_general(ohb, w2, (((1,), (0,)), ((), ())),
                                 preferred_element_type=jnp.float32)
               + lax.dot_general(ohb, w3, (((1,), (0,)), ((), ())),
                                 preferred_element_type=jnp.float32))
        qsum = qsum + zqd
        residual = residual - zqd
        r2 = jnp.sum(residual * residual, axis=1, keepdims=True)
        lsum = lsum + jnp.sum(r2, axis=0, keepdims=True)
        idx_cols.append(idxm)

    zq_ref[...] = qsum
    idx_ref[...] = jnp.concatenate(idx_cols, axis=1)
    loss_ref[...] += lsum
    cnt_scr[...] += cnt

    @pl.when(i == nsteps - 1)
    def _fini():
        loss_ref[...] = loss_ref[...] * (BETA_C / (nsteps * BL * DIM))
        avg = cnt_scr[...] * (1.0 / (nsteps * BL * N_STAGES))
        ent = jnp.sum(avg * jnp.log(avg + 1e-10), axis=1, keepdims=True)
        ppl_ref[...] = jnp.exp(-ent)


def _tc_call(z_flat, weight):
    nsteps = ROWS // BL
    return pl.pallas_call(
        functools.partial(_vq_body, nsteps),
        grid=(nsteps,),
        in_specs=[
            pl.BlockSpec((BL, DIM), lambda i: (i, 0)),
            pl.BlockSpec((N_CODES, DIM), lambda i: (0, 0)),
        ],
        out_specs=[
            pl.BlockSpec((BL, DIM), lambda i: (i, 0)),
            pl.BlockSpec((BL, N_STAGES), lambda i: (i, 0)),
            pl.BlockSpec((1, 1), lambda i: (0, 0)),
            pl.BlockSpec((1, 1), lambda i: (0, 0)),
        ],
        out_shape=[
            jax.ShapeDtypeStruct((ROWS, DIM), jnp.float32),
            jax.ShapeDtypeStruct((ROWS, N_STAGES), jnp.int32),
            jax.ShapeDtypeStruct((1, 1), jnp.float32),
            jax.ShapeDtypeStruct((1, 1), jnp.float32),
        ],
        scratch_shapes=[pltpu.VMEM((1, N_CODES), jnp.float32)],
    )(z_flat, weight)



_SC_INFO = plsc.get_sparse_core_info()
_NC, _NS = _SC_INFO.num_cores, _SC_INFO.num_subcores
_NW = _NC * _NS
_TOT = N_STAGES * ROWS
_RPW = _TOT // _NW
_GRP = 16
_NGRP = _RPW // _GRP


def _enc_sc(idx_hbm, out_hbm, idx_v, buf0, buf1, sem0, sem1):
    wid = lax.axis_index("s") * _NC + lax.axis_index("c")
    base = wid * _RPW
    pltpu.sync_copy(idx_hbm.at[pl.ds(base * 1, _RPW)], idx_v)

    zeros16 = jnp.zeros((_GRP,), jnp.float32)
    ones16 = jnp.ones((_GRP,), jnp.float32)
    lane = lax.iota(jnp.int32, _GRP)
    bufs = (buf0, buf1)
    sems = (sem0, sem1)

    def _zero(i, c):
        for r in range(_GRP):
            buf0[r, pl.ds(i * _GRP, _GRP)] = zeros16
            buf1[r, pl.ds(i * _GRP, _GRP)] = zeros16
        return c
    lax.fori_loop(0, N_CODES // _GRP, _zero, 0)

    def _offs(g):
        return idx_v[pl.ds(g * _GRP, _GRP)]

    def _fire(b, g):
        plsc.store_scatter(bufs[b], [lane, _offs(g)], ones16)
        pltpu.async_copy(
            bufs[b],
            out_hbm.at[pl.ds(base + g * _GRP, _GRP)],
            sems[b])

    _fire(0, 0)
    _fire(1, 1)

    def _main(gg, c):
        for b in range(2):
            g = gg * 2 + b
            pltpu.make_async_copy(
                bufs[b], out_hbm.at[pl.ds(0, _GRP)], sems[b]).wait()
            plsc.store_scatter(bufs[b], [lane, _offs(g - 2)], zeros16)
            _fire(b, g)
        return c
    lax.fori_loop(1, _NGRP // 2, _main, 0)

    for b in range(2):
        pltpu.make_async_copy(
            bufs[b], out_hbm.at[pl.ds(0, _GRP)], sems[b]).wait()


_enc_kernel = functools.partial(
    pl.kernel,
    mesh=plsc.VectorSubcoreMesh(core_axis_name="c", subcore_axis_name="s"),
    out_type=jax.ShapeDtypeStruct((_TOT, N_CODES), jnp.float32),
    scratch_types=[
        pltpu.VMEM((_RPW,), jnp.int32),
        pltpu.VMEM((_GRP, N_CODES), jnp.float32),
        pltpu.VMEM((_GRP, N_CODES), jnp.float32),
        pltpu.SemaphoreType.DMA,
        pltpu.SemaphoreType.DMA,
    ],
    compiler_params=pltpu.CompilerParams(use_tc_tiling_on_sc=False,
                                         needs_layout_passes=False),
)(_enc_sc)


@jax.jit
def kernel(z, weight):
    b, c, h, w = z.shape
    z_flat = jnp.transpose(z, (0, 2, 3, 1)).reshape(ROWS, DIM)

    zq_flat, idx, loss, ppl = _tc_call(z_flat, weight)

    idx_sm = jnp.transpose(idx).reshape(_TOT)
    encodings_cat = _enc_kernel(idx_sm)

    z_q = jnp.transpose(zq_flat.reshape(b, h, w, DIM), (0, 3, 1, 2))
    indices_stack = jnp.transpose(idx.reshape(b, h, w, N_STAGES), (0, 3, 1, 2))
    return (z_q, loss[0, 0], ppl[0, 0], encodings_cat, indices_stack)

# --- scband reference (transcript-rebuilt; emitter-appended) ---
"""Pipeline reference for scband-residual-emavector-quantizer-10230612099577 (READ-ONLY COPY).

The authoritative reference and input builder live on the scoring server;
editing this copy changes nothing except your own understanding.
"""

import jax, jax.numpy as jnp
import numpy as np

N_EMBED = 1024
EMBED_DIM = 256
BETA = 0.25
NUM_QUANTIZERS = 4


def setup_inputs(seed: int = 0) -> dict:
    key = jax.random.key(seed)
    k1, k2 = jax.random.split(key)
    z = jax.random.normal(k1, (8, 256, 32, 32), dtype=jnp.float32)
    weight = jax.random.normal(k2, (N_EMBED, EMBED_DIM), dtype=jnp.float32)
    return {"z": z, "weight": weight}


def reference(z, weight):
    b, c, h, w = z.shape
    z_hw = jnp.transpose(z, (0, 2, 3, 1))
    z_flat = z_hw.reshape(-1, EMBED_DIM)
    residual = z_flat
    quant_sum = jnp.zeros_like(z_flat)
    all_indices = []
    all_encodings = []
    partial_sums = []
    w_sq = jnp.sum(weight ** 2, axis=1)
    for _ in range(NUM_QUANTIZERS):
        d = jnp.sum(residual ** 2, axis=1, keepdims=True) + w_sq[None, :] - 2.0 * jnp.einsum('bd,nd->bn', residual, weight)
        encoding_indices = jnp.argmin(d, axis=1)
        all_indices.append(encoding_indices)
        z_q_d = jnp.take(weight, encoding_indices, axis=0)
        quant_sum = quant_sum + z_q_d
        encodings = jax.nn.one_hot(encoding_indices, N_EMBED, dtype=z_flat.dtype)
        all_encodings.append(encodings)
        residual = residual - z_q_d
        partial_sums.append(quant_sum)
    loss = 0.0
    for ps in partial_sums:
        loss = loss + jnp.mean((jax.lax.stop_gradient(ps) - z_flat) ** 2)
    loss = BETA * loss
    z_q = quant_sum.reshape(z_hw.shape)
    z_q = jnp.transpose(z_q, (0, 3, 1, 2))
    z_q = z + jax.lax.stop_gradient(z_q - z)
    encodings_cat = jnp.concatenate(all_encodings, axis=0)
    avg_probs = jnp.mean(encodings_cat, axis=0)
    perplexity = jnp.exp(-jnp.sum(avg_probs * jnp.log(avg_probs + 1e-10)))
    indices_stack = jnp.stack(all_indices, axis=1)
    indices_stack = indices_stack.reshape(b, h, w, NUM_QUANTIZERS)
    indices_stack = jnp.transpose(indices_stack, (0, 3, 1, 2))
    return (z_q, loss, perplexity, encodings_cat, indices_stack)

if __name__ == "__main__":
    import jax
    _d = setup_inputs()
    print(jax.jit(kernel)(*tuple(_d.values())))

</pallas_src>

<mosaic_0001>
#map = affine_map<(d0, d1) -> (0)>
#map1 = affine_map<(d0, d1) -> (0, 0)>
module attributes {stable_mosaic.version = 14 : i64} {
  func.func @_enc_sc(%arg0: i32, %arg1: i32, %arg2: memref<32768xi32, #tpu.memory_space<hbm>>, %arg3: memref<32768x1024xf32, #tpu.memory_space<hbm>>, %arg4: memref<1024xi32, #tpu.memory_space<vmem>>, %arg5: memref<16x1024xf32, #tpu.memory_space<vmem>>, %arg6: memref<16x1024xf32, #tpu.memory_space<vmem>>, %arg7: memref<!tpu.dma_semaphore, #tpu.memory_space<semaphore_mem>>, %arg8: memref<!tpu.dma_semaphore, #tpu.memory_space<semaphore_mem>>) attributes {dimension_semantics = [#tpu.dimension_semantics<core_parallel>, #tpu.dimension_semantics<subcore_parallel>], iteration_bounds = array<i64: 2, 16>, scalar_prefetch = 0 : i64, scratch_operands = 5 : i64, tpu.core_type = #tpu.core_type<sc_vector_subcore>, window_params = [{transform_indices = #map}, {transform_indices = #map1}]} {
    %mul3A = arith.constant 2 : i32
    %mul3A_0 = arith.muli %arg1, %mul3A : i32
    %add3A = arith.addi %mul3A_0, %arg0 : i32
    %mul3A_1 = arith.constant 1024 : i32
    %mul3A_2 = arith.muli %add3A, %mul3A_1 : i32
    %mul3A_3 = arith.constant 1 : i32
    %mul3A_4 = arith.muli %mul3A_2, %mul3A_3 : i32
    "tpu.region"() ({
      %run_scoped3A = tpu.sem_alloc : memref<!tpu.dma_semaphore, #tpu.memory_space<semaphore_mem>>
      %dma_start3A_44 = tpu.memref_slice %arg2[%mul3A_4] : memref<32768xi32, #tpu.memory_space<hbm>> -> memref<1024xi32, #tpu.memory_space<hbm>>
      %dma_start3A_45 = tpu.memref_slice %arg2[%mul3A_4] : memref<32768xi32, #tpu.memory_space<hbm>> -> memref<1024xi32, #tpu.memory_space<hbm>>
      tpu.enqueue_dma source(%dma_start3A_45 : memref<1024xi32, #tpu.memory_space<hbm>>) target(%arg4 : memref<1024xi32, #tpu.memory_space<vmem>>) target_semaphore(%run_scoped3A : memref<!tpu.dma_semaphore, #tpu.memory_space<semaphore_mem>>)
      %dma_wait3A_46 = tpu.memref_slice %arg2[%mul3A_4] : memref<32768xi32, #tpu.memory_space<hbm>> -> memref<1024xi32, #tpu.memory_space<hbm>>
      %dma_wait3A_47 = tpu.memref_slice %arg2[%mul3A_4] : memref<32768xi32, #tpu.memory_space<hbm>> -> memref<1024xi32, #tpu.memory_space<hbm>>
      tpu.wait_dma2 semaphore(%run_scoped3A : memref<!tpu.dma_semaphore, #tpu.memory_space<semaphore_mem>>) src(%dma_wait3A_47 : memref<1024xi32, #tpu.memory_space<hbm>>) dst(%arg4 : memref<1024xi32, #tpu.memory_space<vmem>>)
      tpu.yield
    }) : () -> ()
    %broadcast_in_dim3A = arith.constant 0.000000e+00 : f32
    %broadcast_in_dim3A_5 = vector.broadcast %broadcast_in_dim3A : f32 to vector<16xf32>
    %broadcast_in_dim3A_6 = arith.constant 1.000000e+00 : f32
    %broadcast_in_dim3A_7 = vector.broadcast %broadcast_in_dim3A_6 : f32 to vector<16xf32>
    %iota3A = tpu.iota {dimensions = array<i32: 0>} : vector<16xi32>
    %scan3A = arith.constant 0 : i32
    %scan3A_8 = arith.constant 0 : i32
    %scan3A_9 = arith.constant 64 : i32
    %scan3A_10 = arith.addi %scan3A_8, %scan3A_9 : i32
    %scan3A_11 = arith.constant 1 : i32
    scf.for %scan3A_44 = %scan3A_8 to %scan3A_10 step %scan3A_11  : i32 {
      %mul3A_45 = arith.constant 16 : i32
      %mul3A_46 = arith.muli %scan3A_44, %mul3A_45 : i32
      %swap3A = arith.constant 0 : i32
      %swap3A_47 = arith.index_cast %swap3A : i32 to index
      %swap3A_48 = arith.index_cast %mul3A_46 : i32 to index
      %swap3A_49 = tpu.vector_load %arg5[%swap3A_47, %swap3A_48] {strides = array<i32>} : memref<16x1024xf32, #tpu.memory_space<vmem>>, vector<16xf32>,
      tpu.vector_store %arg5[%swap3A_47, %swap3A_48], %broadcast_in_dim3A_5 {strides = array<i32>} : memref<16x1024xf32, #tpu.memory_space<vmem>>, vector<16xf32>,
      %mul3A_50 = arith.constant 16 : i32
      %mul3A_51 = arith.muli %scan3A_44, %mul3A_50 : i32
      %swap3A_52 = arith.constant 0 : i32
      %swap3A_53 = arith.index_cast %swap3A_52 : i32 to index
      %swap3A_54 = arith.index_cast %mul3A_51 : i32 to index
      %swap3A_55 = tpu.vector_load %arg6[%swap3A_53, %swap3A_54] {strides = array<i32>} : memref<16x1024xf32, #tpu.memory_space<vmem>>, vector<16xf32>,
      tpu.vector_store %arg6[%swap3A_53, %swap3A_54], %broadcast_in_dim3A_5 {strides = array<i32>} : memref<16x1024xf32, #tpu.memory_space<vmem>>, vector<16xf32>,
      %mul3A_56 = arith.constant 16 : i32
      %mul3A_57 = arith.muli %scan3A_44, %mul3A_56 : i32
      %swap3A_58 = arith.constant 1 : i32
      %swap3A_59 = arith.index_cast %swap3A_58 : i32 to index
      %swap3A_60 = arith.index_cast %mul3A_57 : i32 to index
      %swap3A_61 = tpu.vector_load %arg5[%swap3A_59, %swap3A_60] {strides = array<i32>} : memref<16x1024xf32, #tpu.memory_space<vmem>>, vector<16xf32>,
      tpu.vector_store %arg5[%swap3A_59, %swap3A_60], %broadcast_in_dim3A_5 {strides = array<i32>} : memref<16x1024xf32, #tpu.memory_space<vmem>>, vector<16xf32>,
      %mul3A_62 = arith.constant 16 : i32
      %mul3A_63 = arith.muli %scan3A_44, %mul3A_62 : i32
      %swap3A_64 = arith.constant 1 : i32
      %swap3A_65 = arith.index_cast %swap3A_64 : i32 to index
      %swap3A_66 = arith.index_cast %mul3A_63 : i32 to index
      %swap3A_67 = tpu.vector_load %arg6[%swap3A_65, %swap3A_66] {strides = array<i32>} : memref<16x1024xf32, #tpu.memory_space<vmem>>, vector<16xf32>,
      tpu.vector_store %arg6[%swap3A_65, %swap3A_66], %broadcast_in_dim3A_5 {strides = array<i32>} : memref<16x1024xf32, #tpu.memory_space<vmem>>, vector<16xf32>,
      %mul3A_68 = arith.constant 16 : i32
      %mul3A_69 = arith.muli %scan3A_44, %mul3A_68 : i32
      %swap3A_70 = arith.constant 2 : i32
      %swap3A_71 = arith.index_cast %swap3A_70 : i32 to index
      %swap3A_72 = arith.index_cast %mul3A_69 : i32 to index
      %swap3A_73 = tpu.vector_load %arg5[%swap3A_71, %swap3A_72] {strides = array<i32>} : memref<16x1024xf32, #tpu.memory_space<vmem>>, vector<16xf32>,
      tpu.vector_store %arg5[%swap3A_71, %swap3A_72], %broadcast_in_dim3A_5 {strides = array<i32>} : memref<16x1024xf32, #tpu.memory_space<vmem>>, vector<16xf32>,
      %mul3A_74 = arith.constant 16 : i32
      %mul3A_75 = arith.muli %scan3A_44, %mul3A_74 : i32
      %swap3A_76 = arith.constant 2 : i32
      %swap3A_77 = arith.index_cast %swap3A_76 : i32 to index
      %swap3A_78 = arith.index_cast %mul3A_75 : i32 to index
      %swap3A_79 = tpu.vector_load %arg6[%swap3A_77, %swap3A_78] {strides = array<i32>} : memref<16x1024xf32, #tpu.memory_space<vmem>>, vector<16xf32>,
      tpu.vector_store %arg6[%swap3A_77, %swap3A_78], %broadcast_in_dim3A_5 {strides = array<i32>} : memref<16x1024xf32, #tpu.memory_space<vmem>>, vector<16xf32>,
      %mul3A_80 = arith.constant 16 : i32
      %mul3A_81 = arith.muli %scan3A_44, %mul3A_80 : i32
      %swap3A_82 = arith.constant 3 : i32
      %swap3A_83 = arith.index_cast %swap3A_82 : i32 to index
      %swap3A_84 = arith.index_cast %mul3A_81 : i32 to index
      %swap3A_85 = tpu.vector_load %arg5[%swap3A_83, %swap3A_84] {strides = array<i32>} : memref<16x1024xf32, #tpu.memory_space<vmem>>, vector<16xf32>,
      tpu.vector_store %arg5[%swap3A_83, %swap3A_84], %broadcast_in_dim3A_5 {strides = array<i32>} : memref<16x1024xf32, #tpu.memory_space<vmem>>, vector<16xf32>,
      %mul3A_86 = arith.constant 16 : i32
      %mul3A_87 = arith.muli %scan3A_44, %mul3A_86 : i32
      %swap3A_88 = arith.constant 3 : i32
      %swap3A_89 = arith.index_cast %swap3A_88 : i32 to index
      %swap3A_90 = arith.index_cast %mul3A_87 : i32 to index
      %swap3A_91 = tpu.vector_load %arg6[%swap3A_89, %swap3A_90] {strides = array<i32>} : memref<16x1024xf32, #tpu.memory_space<vmem>>, vector<16xf32>,
      tpu.vector_store %arg6[%swap3A_89, %swap3A_90], %broadcast_in_dim3A_5 {strides = array<i32>} : memref<16x1024xf32, #tpu.memory_space<vmem>>, vector<16xf32>,
      %mul3A_92 = arith.constant 16 : i32
      %mul3A_93 = arith.muli %scan3A_44, %mul3A_92 : i32
      %swap3A_94 = arith.constant 4 : i32
      %swap3A_95 = arith.index_cast %swap3A_94 : i32 to index
      %swap3A_96 = arith.index_cast %mul3A_93 : i32 to index
      %swap3A_97 = tpu.vector_load %arg5[%swap3A_95, %swap3A_96] {strides = array<i32>} : memref<16x1024xf32, #tpu.memory_space<vmem>>, vector<16xf32>,
      tpu.vector_store %arg5[%swap3A_95, %swap3A_96], %broadcast_in_dim3A_5 {strides = array<i32>} : memref<16x1024xf32, #tpu.memory_space<vmem>>, vector<16xf32>,
      %mul3A_98 = arith.constant 16 : i32
      %mul3A_99 = arith.muli %scan3A_44, %mul3A_98 : i32
      %swap3A_100 = arith.constant 4 : i32
      %swap3A_101 = arith.index_cast %swap3A_100 : i32 to index
      %swap3A_102 = arith.index_cast %mul3A_99 : i32 to index
      %swap3A_103 = tpu.vector_load %arg6[%swap3A_101, %swap3A_102] {strides = array<i32>} : memref<16x1024xf32, #tpu.memory_space<vmem>>, vector<16xf32>,
      tpu.vector_store %arg6[%swap3A_101, %swap3A_102], %broadcast_in_dim3A_5 {strides = array<i32>} : memref<16x1024xf32, #tpu.memory_space<vmem>>, vector<16xf32>,
      %mul3A_104 = arith.constant 16 : i32
      %mul3A_105 = arith.muli %scan3A_44, %mul3A_104 : i32
      %swap3A_106 = arith.constant 5 : i32
      %swap3A_107 = arith.index_cast %swap3A_106 : i32 to index
      %swap3A_108 = arith.index_cast %mul3A_105 : i32 to index
      %swap3A_109 = tpu.vector_load %arg5[%swap3A_107, %swap3A_108] {strides = array<i32>} : memref<16x1024xf32, #tpu.memory_space<vmem>>, vector<16xf32>,
      tpu.vector_store %arg5[%swap3A_107, %swap3A_108], %broadcast_in_dim3A_5 {strides = array<i32>} : memref<16x1024xf32, #tpu.memory_space<vmem>>, vector<16xf32>,
      %mul3A_110 = arith.constant 16 : i32
      %mul3A_111 = arith.muli %scan3A_44, %mul3A_110 : i32
      %swap3A_112 = arith.constant 5 : i32
      %swap3A_113 = arith.index_cast %swap3A_112 : i32 to index
      %swap3A_114 = arith.index_cast %mul3A_111 : i32 to index
      %swap3A_115 = tpu.vector_load %arg6[%swap3A_113, %swap3A_114] {strides = array<i32>} : memref<16x1024xf32, #tpu.memory_space<vmem>>, vector<16xf32>,
      tpu.vector_store %arg6[%swap3A_113, %swap3A_114], %broadcast_in_dim3A_5 {strides = array<i32>} : memref<16x1024xf32, #tpu.memory_space<vmem>>, vector<16xf32>,
      %mul3A_116 = arith.constant 16 : i32
      %mul3A_117 = arith.muli %scan3A_44, %mul3A_116 : i32
      %swap3A_118 = arith.constant 6 : i32
      %swap3A_119 = arith.index_cast %swap3A_118 : i32 to index
      %swap3A_120 = arith.index_cast %mul3A_117 : i32 to index
      %swap3A_121 = tpu.vector_load %arg5[%swap3A_119, %swap3A_120] {strides = array<i32>} : memref<16x1024xf32, #tpu.memory_space<vmem>>, vector<16xf32>,
      tpu.vector_store %arg5[%swap3A_119, %swap3A_120], %broadcast_in_dim3A_5 {strides = array<i32>} : memref<16x1024xf32, #tpu.memory_space<vmem>>, vector<16xf32>,
      %mul3A_122 = arith.constant 16 : i32
      %mul3A_123 = arith.muli %scan3A_44, %mul3A_122 : i32
      %swap3A_124 = arith.constant 6 : i32
      %swap3A_125 = arith.index_cast %swap3A_124 : i32 to index
      %swap3A_126 = arith.index_cast %mul3A_123 : i32 to index
      %swap3A_127 = tpu.vector_load %arg6[%swap3A_125, %swap3A_126] {strides = array<i32>} : memref<16x1024xf32, #tpu.memory_space<vmem>>, vector<16xf32>,
      tpu.vector_store %arg6[%swap3A_125, %swap3A_126], %broadcast_in_dim3A_5 {strides = array<i32>} : memref<16x1024xf32, #tpu.memory_space<vmem>>, vector<16xf32>,
      %mul3A_128 = arith.constant 16 : i32
      %mul3A_129 = arith.muli %scan3A_44, %mul3A_128 : i32
      %swap3A_130 = arith.constant 7 : i32
      %swap3A_131 = arith.index_cast %swap3A_130 : i32 to index
      %swap3A_132 = arith.index_cast %mul3A_129 : i32 to index
      %swap3A_133 = tpu.vector_load %arg5[%swap3A_131, %swap3A_132] {strides = array<i32>} : memref<16x1024xf32, #tpu.memory_space<vmem>>, vector<16xf32>,
      tpu.vector_store %arg5[%swap3A_131, %swap3A_132], %broadcast_in_dim3A_5 {strides = array<i32>} : memref<16x1024xf32, #tpu.memory_space<vmem>>, vector<16xf32>,
      %mul3A_134 = arith.constant 16 : i32
      %mul3A_135 = arith.muli %scan3A_44, %mul3A_134 : i32
      %swap3A_136 = arith.constant 7 : i32
      %swap3A_137 = arith.index_cast %swap3A_136 : i32 to index
      %swap3A_138 = arith.index_cast %mul3A_135 : i32 to index
      %swap3A_139 = tpu.vector_load %arg6[%swap3A_137, %swap3A_138] {strides = array<i32>} : memref<16x1024xf32, #tpu.memory_space<vmem>>, vector<16xf32>,
      tpu.vector_store %arg6[%swap3A_137, %swap3A_138], %broadcast_in_dim3A_5 {strides = array<i32>} : memref<16x1024xf32, #tpu.memory_space<vmem>>, vector<16xf32>,
      %mul3A_140 = arith.constant 16 : i32
      %mul3A_141 = arith.muli %scan3A_44, %mul3A_140 : i32
      %swap3A_142 = arith.constant 8 : i32
      %swap3A_143 = arith.index_cast %swap3A_142 : i32 to index
      %swap3A_144 = arith.index_cast %mul3A_141 : i32 to index
      %swap3A_145 = tpu.vector_load %arg5[%swap3A_143, %swap3A_144] {strides = array<i32>} : memref<16x1024xf32, #tpu.memory_space<vmem>>, vector<16xf32>,
      tpu.vector_store %arg5[%swap3A_143, %swap3A_144], %broadcast_in_dim3A_5 {strides = array<i32>} : memref<16x1024xf32, #tpu.memory_space<vmem>>, vector<16xf32>,
      %mul3A_146 = arith.constant 16 : i32
      %mul3A_147 = arith.muli %scan3A_44, %mul3A_146 : i32
      %swap3A_148 = arith.constant 8 : i32
      %swap3A_149 = arith.index_cast %swap3A_148 : i32 to index
      %swap3A_150 = arith.index_cast %mul3A_147 : i32 to index
      %swap3A_151 = tpu.vector_load %arg6[%swap3A_149, %swap3A_150] {strides = array<i32>} : memref<16x1024xf32, #tpu.memory_space<vmem>>, vector<16xf32>,
      tpu.vector_store %arg6[%swap3A_149, %swap3A_150], %broadcast_in_dim3A_5 {strides = array<i32>} : memref<16x1024xf32, #tpu.memory_space<vmem>>, vector<16xf32>,
      %mul3A_152 = arith.constant 16 : i32
      %mul3A_153 = arith.muli %scan3A_44, %mul3A_152 : i32
      %swap3A_154 = arith.constant 9 : i32
      %swap3A_155 = arith.index_cast %swap3A_154 : i32 to index
      %swap3A_156 = arith.index_cast %mul3A_153 : i32 to index
      %swap3A_157 = tpu.vector_load %arg5[%swap3A_155, %swap3A_156] {strides = array<i32>} : memref<16x1024xf32, #tpu.memory_space<vmem>>, vector<16xf32>,
      tpu.vector_store %arg5[%swap3A_155, %swap3A_156], %broadcast_in_dim3A_5 {strides = array<i32>} : memref<16x1024xf32, #tpu.memory_space<vmem>>, vector<16xf32>,
      %mul3A_158 = arith.constant 16 : i32
      %mul3A_159 = arith.muli %scan3A_44, %mul3A_158 : i32
      %swap3A_160 = arith.constant 9 : i32
      %swap3A_161 = arith.index_cast %swap3A_160 : i32 to index
      %swap3A_162 = arith.index_cast %mul3A_159 : i32 to index
      %swap3A_163 = tpu.vector_load %arg6[%swap3A_161, %swap3A_162] {strides = array<i32>} : memref<16x1024xf32, #tpu.memory_space<vmem>>, vector<16xf32>,
      tpu.vector_store %arg6[%swap3A_161, %swap3A_162], %broadcast_in_dim3A_5 {strides = array<i32>} : memref<16x1024xf32, #tpu.memory_space<vmem>>, vector<16xf32>,
      %mul3A_164 = arith.constant 16 : i32
      %mul3A_165 = arith.muli %scan3A_44, %mul3A_164 : i32
      %swap3A_166 = arith.constant 10 : i32
      %swap3A_167 = arith.index_cast %swap3A_166 : i32 to index
      %swap3A_168 = arith.index_cast %mul3A_165 : i32 to index
      %swap3A_169 = tpu.vector_load %arg5[%swap3A_167, %swap3A_168] {strides = array<i32>} : memref<16x1024xf32, #tpu.memory_space<vmem>>, vector<16xf32>,
      tpu.vector_store %arg5[%swap3A_167, %swap3A_168], %broadcast_in_dim3A_5 {strides = array<i32>} : memref<16x1024xf32, #tpu.memory_space<vmem>>, vector<16xf32>,
      %mul3A_170 = arith.constant 16 : i32
      %mul3A_171 = arith.muli %scan3A_44, %mul3A_170 : i32
      %swap3A_172 = arith.constant 10 : i32
      %swap3A_173 = arith.index_cast %swap3A_172 : i32 to index
      %swap3A_174 = arith.index_cast %mul3A_171 : i32 to index
      %swap3A_175 = tpu.vector_load %arg6[%swap3A_173, %swap3A_174] {strides = array<i32>} : memref<16x1024xf32, #tpu.memory_space<vmem>>, vector<16xf32>,
      tpu.vector_store %arg6[%swap3A_173, %swap3A_174], %broadcast_in_dim3A_5 {strides = array<i32>} : memref<16x1024xf32, #tpu.memory_space<vmem>>, vector<16xf32>,
      %mul3A_176 = arith.constant 16 : i32
      %mul3A_177 = arith.muli %scan3A_44, %mul3A_176 : i32
      %swap3A_178 = arith.constant 11 : i32
      %swap3A_179 = arith.index_cast %swap3A_178 : i32 to index
      %swap3A_180 = arith.index_cast %mul3A_177 : i32 to index
      %swap3A_181 = tpu.vector_load %arg5[%swap3A_179, %swap3A_180] {strides = array<i32>} : memref<16x1024xf32, #tpu.memory_space<vmem>>, vector<16xf32>,
      tpu.vector_store %arg5[%swap3A_179, %swap3A_180], %broadcast_in_dim3A_5 {strides = array<i32>} : memref<16x1024xf32, #tpu.memory_space<vmem>>, vector<16xf32>,
      %mul3A_182 = arith.constant 16 : i32
      %mul3A_183 = arith.muli %scan3A_44, %mul3A_182 : i32
      %swap3A_184 = arith.constant 11 : i32
      %swap3A_185 = arith.index_cast %swap3A_184 : i32 to index
      %swap3A_186 = arith.index_cast %mul3A_183 : i32 to index
      %swap3A_187 = tpu.vector_load %arg6[%swap3A_185, %swap3A_186] {strides = array<i32>} : memref<16x1024xf32, #tpu.memory_space<vmem>>, vector<16xf32>,
      tpu.vector_store %arg6[%swap3A_185, %swap3A_186], %broadcast_in_dim3A_5 {strides = array<i32>} : memref<16x1024xf32, #tpu.memory_space<vmem>>, vector<16xf32>,
      %mul3A_188 = arith.constant 16 : i32
      %mul3A_189 = arith.muli %scan3A_44, %mul3A_188 : i32
      %swap3A_190 = arith.constant 12 : i32
      %swap3A_191 = arith.index_cast %swap3A_190 : i32 to index
      %swap3A_192 = arith.index_cast %mul3A_189 : i32 to index
      %swap3A_193 = tpu.vector_load %arg5[%swap3A_191, %swap3A_192] {strides = array<i32>} : memref<16x1024xf32, #tpu.memory_space<vmem>>, vector<16xf32>,
      tpu.vector_store %arg5[%swap3A_191, %swap3A_192], %broadcast_in_dim3A_5 {strides = array<i32>} : memref<16x1024xf32, #tpu.memory_space<vmem>>, vector<16xf32>,
      %mul3A_194 = arith.constant 16 : i32
      %mul3A_195 = arith.muli %scan3A_44, %mul3A_194 : i32
      %swap3A_196 = arith.constant 12 : i32
      %swap3A_197 = arith.index_cast %swap3A_196 : i32 to index
      %swap3A_198 = arith.index_cast %mul3A_195 : i32 to index
      %swap3A_199 = tpu.vector_load %arg6[%swap3A_197, %swap3A_198] {strides = array<i32>} : memref<16x1024xf32, #tpu.memory_space<vmem>>, vector<16xf32>,
      tpu.vector_store %arg6[%swap3A_197, %swap3A_198], %broadcast_in_dim3A_5 {strides = array<i32>} : memref<16x1024xf32, #tpu.memory_space<vmem>>, vector<16xf32>,
      %mul3A_200 = arith.constant 16 : i32
      %mul3A_201 = arith.muli %scan3A_44, %mul3A_200 : i32
      %swap3A_202 = arith.constant 13 : i32
      %swap3A_203 = arith.index_cast %swap3A_202 : i32 to index
      %swap3A_204 = arith.index_cast %mul3A_201 : i32 to index
      %swap3A_205 = tpu.vector_load %arg5[%swap3A_203, %swap3A_204] {strides = array<i32>} : memref<16x1024xf32, #tpu.memory_space<vmem>>, vector<16xf32>,
      tpu.vector_store %arg5[%swap3A_203, %swap3A_204], %broadcast_in_dim3A_5 {strides = array<i32>} : memref<16x1024xf32, #tpu.memory_space<vmem>>, vector<16xf32>,
      %mul3A_206 = arith.constant 16 : i32
      %mul3A_207 = arith.muli %scan3A_44, %mul3A_206 : i32
      %swap3A_208 = arith.constant 13 : i32
      %swap3A_209 = arith.index_cast %swap3A_208 : i32 to index
      %swap3A_210 = arith.index_cast %mul3A_207 : i32 to index
      %swap3A_211 = tpu.vector_load %arg6[%swap3A_209, %swap3A_210] {strides = array<i32>} : memref<16x1024xf32, #tpu.memory_space<vmem>>, vector<16xf32>,
      tpu.vector_store %arg6[%swap3A_209, %swap3A_210], %broadcast_in_dim3A_5 {strides = array<i32>} : memref<16x1024xf32, #tpu.memory_space<vmem>>, vector<16xf32>,
      %mul3A_212 = arith.constant 16 : i32
      %mul3A_213 = arith.muli %scan3A_44, %mul3A_212 : i32
      %swap3A_214 = arith.constant 14 : i32
      %swap3A_215 = arith.index_cast %swap3A_214 : i32 to index
      %swap3A_216 = arith.index_cast %mul3A_213 : i32 to index
      %swap3A_217 = tpu.vector_load %arg5[%swap3A_215, %swap3A_216] {strides = array<i32>} : memref<16x1024xf32, #tpu.memory_space<vmem>>, vector<16xf32>,
      tpu.vector_store %arg5[%swap3A_215, %swap3A_216], %broadcast_in_dim3A_5 {strides = array<i32>} : memref<16x1024xf32, #tpu.memory_space<vmem>>, vector<16xf32>,
      %mul3A_218 = arith.constant 16 : i32
      %mul3A_219 = arith.muli %scan3A_44, %mul3A_218 : i32
      %swap3A_220 = arith.constant 14 : i32
      %swap3A_221 = arith.index_cast %swap3A_220 : i32 to index
      %swap3A_222 = arith.index_cast %mul3A_219 : i32 to index
      %swap3A_223 = tpu.vector_load %arg6[%swap3A_221, %swap3A_222] {strides = array<i32>} : memref<16x1024xf32, #tpu.memory_space<vmem>>, vector<16xf32>,
      tpu.vector_store %arg6[%swap3A_221, %swap3A_222], %broadcast_in_dim3A_5 {strides = array<i32>} : memref<16x1024xf32, #tpu.memory_space<vmem>>, vector<16xf32>,
      %mul3A_224 = arith.constant 16 : i32
      %mul3A_225 = arith.muli %scan3A_44, %mul3A_224 : i32
      %swap3A_226 = arith.constant 15 : i32
      %swap3A_227 = arith.index_cast %swap3A_226 : i32 to index
      %swap3A_228 = arith.index_cast %mul3A_225 : i32 to index
      %swap3A_229 = tpu.vector_load %arg5[%swap3A_227, %swap3A_228] {strides = array<i32>} : memref<16x1024xf32, #tpu.memory_space<vmem>>, vector<16xf32>,
      tpu.vector_store %arg5[%swap3A_227, %swap3A_228], %broadcast_in_dim3A_5 {strides = array<i32>} : memref<16x1024xf32, #tpu.memory_space<vmem>>, vector<16xf32>,
      %mul3A_230 = arith.constant 16 : i32
      %mul3A_231 = arith.muli %scan3A_44, %mul3A_230 : i32
      %swap3A_232 = arith.constant 15 : i32
      %swap3A_233 = arith.index_cast %swap3A_232 : i32 to index
      %swap3A_234 = arith.index_cast %mul3A_231 : i32 to index
      %swap3A_235 = tpu.vector_load %arg6[%swap3A_233, %swap3A_234] {strides = array<i32>} : memref<16x1024xf32, #tpu.memory_space<vmem>>, vector<16xf32>,
      tpu.vector_store %arg6[%swap3A_233, %swap3A_234], %broadcast_in_dim3A_5 {strides = array<i32>} : memref<16x1024xf32, #tpu.memory_space<vmem>>, vector<16xf32>,
    }
    %scan3A_12 = arith.constant 64 : i32
    %get3A = arith.constant 0 : index
    %get3A_13 = tpu.vector_load %arg4[%get3A] {strides = array<i32>} : memref<1024xi32, #tpu.memory_space<vmem>>, vector<16xi32>,
    tpu.vector_store_idx %arg5[%iota3A, %get3A_13], %broadcast_in_dim3A_7 : memref<16x1024xf32, #tpu.memory_space<vmem>>[vector<16xi32>, vector<16xi32>], vector<16xf32>,
    %add3A_14 = arith.constant 0 : i32
    %add3A_15 = arith.addi %mul3A_2, %add3A_14 : i32
    %dma_start3A = arith.constant 0 : i32
    %dma_start3A_16 = tpu.memref_slice %arg3[%add3A_15, %dma_start3A] : memref<32768x1024xf32, #tpu.memory_space<hbm>> -> memref<16x1024xf32, #tpu.memory_space<hbm>>
    %dma_start3A_17 = arith.constant 0 : i32
    %dma_start3A_18 = tpu.memref_slice %arg3[%add3A_15, %dma_start3A_17] : memref<32768x1024xf32, #tpu.memory_space<hbm>> -> memref<16x1024xf32, #tpu.memory_space<hbm>>
    tpu.enqueue_dma source(%arg5 : memref<16x1024xf32, #tpu.memory_space<vmem>>) target(%dma_start3A_18 : memref<16x1024xf32, #tpu.memory_space<hbm>>) target_semaphore(%arg7 : memref<!tpu.dma_semaphore, #tpu.memory_space<semaphore_mem>>)
    %get3A_19 = arith.constant 16 : index
    %get3A_20 = tpu.vector_load %arg4[%get3A_19] {strides = array<i32>} : memref<1024xi32, #tpu.memory_space<vmem>>, vector<16xi32>,
    tpu.vector_store_idx %arg6[%iota3A, %get3A_20], %broadcast_in_dim3A_7 : memref<16x1024xf32, #tpu.memory_space<vmem>>[vector<16xi32>, vector<16xi32>], vector<16xf32>,
    %add3A_21 = arith.constant 16 : i32
    %add3A_22 = arith.addi %mul3A_2, %add3A_21 : i32
    %dma_start3A_23 = arith.constant 0 : i32
    %dma_start3A_24 = tpu.memref_slice %arg3[%add3A_22, %dma_start3A_23] : memref<32768x1024xf32, #tpu.memory_space<hbm>> -> memref<16x1024xf32, #tpu.memory_space<hbm>>
    %dma_start3A_25 = arith.constant 0 : i32
    %dma_start3A_26 = tpu.memref_slice %arg3[%add3A_22, %dma_start3A_25] : memref<32768x1024xf32, #tpu.memory_space<hbm>> -> memref<16x1024xf32, #tpu.memory_space<hbm>>
    tpu.enqueue_dma source(%arg6 : memref<16x1024xf32, #tpu.memory_space<vmem>>) target(%dma_start3A_26 : memref<16x1024xf32, #tpu.memory_space<hbm>>) target_semaphore(%arg8 : memref<!tpu.dma_semaphore, #tpu.memory_space<semaphore_mem>>)
    %scan3A_27 = arith.constant 0 : i32
    %scan3A_28 = arith.constant 1 : i32
    %scan3A_29 = arith.constant 31 : i32
    %scan3A_30 = arith.addi %scan3A_28, %scan3A_29 : i32
    %scan3A_31 = arith.constant 1 : i32
    scf.for %scan3A_44 = %scan3A_28 to %scan3A_30 step %scan3A_31  : i32 {
      %mul3A_45 = arith.constant 2 : i32
      %mul3A_46 = arith.muli %scan3A_44, %mul3A_45 : i32
      %add3A_47 = arith.constant 0 : i32
      %add3A_48 = arith.addi %mul3A_46, %add3A_47 : i32
      %dma_wait3A_49 = arith.constant 0 : i32
      %dma_wait3A_50 = arith.constant 0 : i32
      %dma_wait3A_51 = tpu.memref_slice %arg3[%dma_wait3A_49, %dma_wait3A_50] : memref<32768x1024xf32, #tpu.memory_space<hbm>> -> memref<16x1024xf32, #tpu.memory_space<hbm>>
      %dma_wait3A_52 = arith.constant 0 : i32
      %dma_wait3A_53 = arith.constant 0 : i32
      %dma_wait3A_54 = tpu.memref_slice %arg3[%dma_wait3A_52, %dma_wait3A_53] : memref<32768x1024xf32, #tpu.memory_space<hbm>> -> memref<16x1024xf32, #tpu.memory_space<hbm>>
      tpu.wait_dma2 semaphore(%arg7 : memref<!tpu.dma_semaphore, #tpu.memory_space<semaphore_mem>>) src(%arg5 : memref<16x1024xf32, #tpu.memory_space<vmem>>) dst(%dma_wait3A_54 : memref<16x1024xf32, #tpu.memory_space<hbm>>)
      %sub3A = arith.constant 2 : i32
      %sub3A_55 = arith.subi %add3A_48, %sub3A : i32
      %mul3A_56 = arith.constant 16 : i32
      %mul3A_57 = arith.muli %sub3A_55, %mul3A_56 : i32
      %get3A_58 = arith.index_cast %mul3A_57 : i32 to index
      %get3A_59 = tpu.vector_load %arg4[%get3A_58] {strides = array<i32>} : memref<1024xi32, #tpu.memory_space<vmem>>, vector<16xi32>,
      tpu.vector_store_idx %arg5[%iota3A, %get3A_59], %broadcast_in_dim3A_5 : memref<16x1024xf32, #tpu.memory_space<vmem>>[vector<16xi32>, vector<16xi32>], vector<16xf32>,
      %mul3A_60 = arith.constant 16 : i32
      %mul3A_61 = arith.muli %add3A_48, %mul3A_60 : i32
      %get3A_62 = arith.index_cast %mul3A_61 : i32 to index
      %get3A_63 = tpu.vector_load %arg4[%get3A_62] {strides = array<i32>} : memref<1024xi32, #tpu.memory_space<vmem>>, vector<16xi32>,
      tpu.vector_store_idx %arg5[%iota3A, %get3A_63], %broadcast_in_dim3A_7 : memref<16x1024xf32, #tpu.memory_space<vmem>>[vector<16xi32>, vector<16xi32>], vector<16xf32>,
      %mul3A_64 = arith.constant 16 : i32
      %mul3A_65 = arith.muli %add3A_48, %mul3A_64 : i32
      %add3A_66 = arith.addi %mul3A_2, %mul3A_65 : i32
      %dma_start3A_67 = arith.constant 0 : i32
      %dma_start3A_68 = tpu.memref_slice %arg3[%add3A_66, %dma_start3A_67] : memref<32768x1024xf32, #tpu.memory_space<hbm>> -> memref<16x1024xf32, #tpu.memory_space<hbm>>
      %dma_start3A_69 = arith.constant 0 : i32
      %dma_start3A_70 = tpu.memref_slice %arg3[%add3A_66, %dma_start3A_69] : memref<32768x1024xf32, #tpu.memory_space<hbm>> -> memref<16x1024xf32, #tpu.memory_space<hbm>>
      tpu.enqueue_dma source(%arg5 : memref<16x1024xf32, #tpu.memory_space<vmem>>) target(%dma_start3A_70 : memref<16x1024xf32, #tpu.memory_space<hbm>>) target_semaphore(%arg7 : memref<!tpu.dma_semaphore, #tpu.memory_space<semaphore_mem>>)
      %mul3A_71 = arith.constant 2 : i32
      %mul3A_72 = arith.muli %scan3A_44, %mul3A_71 : i32
      %add3A_73 = arith.constant 1 : i32
      %add3A_74 = arith.addi %mul3A_72, %add3A_73 : i32
      %dma_wait3A_75 = arith.constant 0 : i32
      %dma_wait3A_76 = arith.constant 0 : i32
      %dma_wait3A_77 = tpu.memref_slice %arg3[%dma_wait3A_75, %dma_wait3A_76] : memref<32768x1024xf32, #tpu.memory_space<hbm>> -> memref<16x1024xf32, #tpu.memory_space<hbm>>
      %dma_wait3A_78 = arith.constant 0 : i32
      %dma_wait3A_79 = arith.constant 0 : i32
      %dma_wait3A_80 = tpu.memref_slice %arg3[%dma_wait3A_78, %dma_wait3A_79] : memref<32768x1024xf32, #tpu.memory_space<hbm>> -> memref<16x1024xf32, #tpu.memory_space<hbm>>
      tpu.wait_dma2 semaphore(%arg8 : memref<!tpu.dma_semaphore, #tpu.memory_space<semaphore_mem>>) src(%arg6 : memref<16x1024xf32, #tpu.memory_space<vmem>>) dst(%dma_wait3A_80 : memref<16x1024xf32, #tpu.memory_space<hbm>>)
      %sub3A_81 = arith.constant 2 : i32
      %sub3A_82 = arith.subi %add3A_74, %sub3A_81 : i32
      %mul3A_83 = arith.constant 16 : i32
      %mul3A_84 = arith.muli %sub3A_82, %mul3A_83 : i32
      %get3A_85 = arith.index_cast %mul3A_84 : i32 to index
      %get3A_86 = tpu.vector_load %arg4[%get3A_85] {strides = array<i32>} : memref<1024xi32, #tpu.memory_space<vmem>>, vector<16xi32>,
      tpu.vector_store_idx %arg6[%iota3A, %get3A_86], %broadcast_in_dim3A_5 : memref<16x1024xf32, #tpu.memory_space<vmem>>[vector<16xi32>, vector<16xi32>], vector<16xf32>,
      %mul3A_87 = arith.constant 16 : i32
      %mul3A_88 = arith.muli %add3A_74, %mul3A_87 : i32
      %get3A_89 = arith.index_cast %mul3A_88 : i32 to index
      %get3A_90 = tpu.vector_load %arg4[%get3A_89] {strides = array<i32>} : memref<1024xi32, #tpu.memory_space<vmem>>, vector<16xi32>,
      tpu.vector_store_idx %arg6[%iota3A, %get3A_90], %broadcast_in_dim3A_7 : memref<16x1024xf32, #tpu.memory_space<vmem>>[vector<16xi32>, vector<16xi32>], vector<16xf32>,
      %mul3A_91 = arith.constant 16 : i32
      %mul3A_92 = arith.muli %add3A_74, %mul3A_91 : i32
      %add3A_93 = arith.addi %mul3A_2, %mul3A_92 : i32
      %dma_start3A_94 = arith.constant 0 : i32
      %dma_start3A_95 = tpu.memref_slice %arg3[%add3A_93, %dma_start3A_94] : memref<32768x1024xf32, #tpu.memory_space<hbm>> -> memref<16x1024xf32, #tpu.memory_space<hbm>>
      %dma_start3A_96 = arith.constant 0 : i32
      %dma_start3A_97 = tpu.memref_slice %arg3[%add3A_93, %dma_start3A_96] : memref<32768x1024xf32, #tpu.memory_space<hbm>> -> memref<16x1024xf32, #tpu.memory_space<hbm>>
      tpu.enqueue_dma source(%arg6 : memref<16x1024xf32, #tpu.memory_space<vmem>>) target(%dma_start3A_97 : memref<16x1024xf32, #tpu.memory_space<hbm>>) target_semaphore(%arg8 : memref<!tpu.dma_semaphore, #tpu.memory_space<semaphore_mem>>)
    }
    %scan3A_32 = arith.constant 31 : i32
    %dma_wait3A = arith.constant 0 : i32
    %dma_wait3A_33 = arith.constant 0 : i32
    %dma_wait3A_34 = tpu.memref_slice %arg3[%dma_wait3A, %dma_wait3A_33] : memref<32768x1024xf32, #tpu.memory_space<hbm>> -> memref<16x1024xf32, #tpu.memory_space<hbm>>
    %dma_wait3A_35 = arith.constant 0 : i32
    %dma_wait3A_36 = arith.constant 0 : i32
    %dma_wait3A_37 = tpu.memref_slice %arg3[%dma_wait3A_35, %dma_wait3A_36] : memref<32768x1024xf32, #tpu.memory_space<hbm>> -> memref<16x1024xf32, #tpu.memory_space<hbm>>
    tpu.wait_dma2 semaphore(%arg7 : memref<!tpu.dma_semaphore, #tpu.memory_space<semaphore_mem>>) src(%arg5 : memref<16x1024xf32, #tpu.memory_space<vmem>>) dst(%dma_wait3A_37 : memref<16x1024xf32, #tpu.memory_space<hbm>>)
    %dma_wait3A_38 = arith.constant 0 : i32
    %dma_wait3A_39 = arith.constant 0 : i32
    %dma_wait3A_40 = tpu.memref_slice %arg3[%dma_wait3A_38, %dma_wait3A_39] : memref<32768x1024xf32, #tpu.memory_space<hbm>> -> memref<16x1024xf32, #tpu.memory_space<hbm>>
    %dma_wait3A_41 = arith.constant 0 : i32
    %dma_wait3A_42 = arith.constant 0 : i32
    %dma_wait3A_43 = tpu.memref_slice %arg3[%dma_wait3A_41, %dma_wait3A_42] : memref<32768x1024xf32, #tpu.memory_space<hbm>> -> memref<16x1024xf32, #tpu.memory_space<hbm>>
    tpu.wait_dma2 semaphore(%arg8 : memref<!tpu.dma_semaphore, #tpu.memory_space<semaphore_mem>>) src(%arg6 : memref<16x1024xf32, #tpu.memory_space<vmem>>) dst(%dma_wait3A_43 : memref<16x1024xf32, #tpu.memory_space<hbm>>)
    return
  }
}

module attributes {stable_mosaic.version = 14 : i64} {
  func.func @_vq_body(%arg0: i32, %arg1: memref<512x256xf32, #tpu.memory_space<vmem>>, %arg2: memref<1024x256xf32, #tpu.memory_space<vmem>>, %arg3: memref<512x256xf32, #tpu.memory_space<vmem>>, %arg4: memref<512x4xi32, #tpu.memory_space<vmem>>, %arg5: memref<1x1xf32, #tpu.memory_space<vmem>>, %arg6: memref<1x1xf32, #tpu.memory_space<vmem>>, %arg7: memref<1x1024xf32, #tpu.memory_space<vmem>>) attributes {dimension_semantics = [#tpu.dimension_semantics<arbitrary>], iteration_bounds = array<i64: 16>, scalar_prefetch = 0 : i64, scratch_operands = 1 : i64, tpu.core_type = #tpu.core_type<tc>, window_params = [{transform_indices = @transform_0, window_bounds = array<i64: 512, 256>}, {pipeline_mode = #tpu.pipeline_mode<synchronous>, transform_indices = @transform_1, window_bounds = array<i64: 1024, 256>}, {transform_indices = @transform_2, window_bounds = array<i64: 512, 256>}, {transform_indices = @transform_3, window_bounds = array<i64: 512, 4>}, {pipeline_mode = #tpu.pipeline_mode<synchronous>, transform_indices = @transform_4, window_bounds = array<i64: 1, 1>}, {pipeline_mode = #tpu.pipeline_mode<synchronous>, transform_indices = @transform_5, window_bounds = array<i64: 1, 1>}]} {
    %eq3A = arith.constant 0 : i32
    %eq3A_0 = arith.cmpi eq, %arg0, %eq3A : i32
    %convert_element_type3A = arith.extui %eq3A_0 : i1 to i32
    %cond3A = arith.constant 0 : i32
    %cond3A_1 = arith.cmpi ne, %convert_element_type3A, %cond3A : i32
    scf.if %cond3A_1 {
      %broadcast_in_dim3A_245 = arith.constant 0.000000e+00 : f32
      %broadcast_in_dim3A_246 = vector.broadcast %broadcast_in_dim3A_245 : f32 to vector<1x1xf32>
      %swap3A_247 = arith.constant 0 : index
      %swap3A_248 = arith.constant 0 : index
      %swap3A_249 = vector.load %arg5[%swap3A_247, %swap3A_248] : memref<1x1xf32, #tpu.memory_space<vmem>>, vector<1x1xf32>
      tpu.vector_store %arg5[%swap3A_247, %swap3A_248], %broadcast_in_dim3A_246 {strides = array<i32>} : memref<1x1xf32, #tpu.memory_space<vmem>>, vector<1x1xf32>,
      %broadcast_in_dim3A_250 = arith.constant 0.000000e+00 : f32
      %broadcast_in_dim3A_251 = vector.broadcast %broadcast_in_dim3A_250 : f32 to vector<1x1024xf32>
      %swap3A_252 = arith.constant 0 : index
      %swap3A_253 = arith.constant 0 : index
      %swap3A_254 = vector.load %arg7[%swap3A_252, %swap3A_253] : memref<1x1024xf32, #tpu.memory_space<vmem>>, vector<1x1024xf32>
      tpu.vector_store %arg7[%swap3A_252, %swap3A_253], %broadcast_in_dim3A_251 {strides = array<i32>} : memref<1x1024xf32, #tpu.memory_space<vmem>>, vector<1x1024xf32>,
    } else {
    }
    %get3A = arith.constant 0 : index
    %get3A_2 = arith.constant 0 : index
    %get3A_3 = vector.load %arg2[%get3A, %get3A_2] : memref<1024x256xf32, #tpu.memory_space<vmem>>, vector<1024x256xf32>
    %broadcast_in_dim3A = arith.constant 1.000000e+00 : f32
    %broadcast_in_dim3A_4 = vector.broadcast %broadcast_in_dim3A : f32 to vector<1x256xf32>
    %mul3A = arith.mulf %get3A_3, %get3A_3 : vector<1024x256xf32>
    %dot_general3A = arith.constant dense<0.000000e+00> : vector<1x1024xf32>
    %dot_general3A_5 = tpu.matmul %broadcast_in_dim3A_4, %mul3A, %dot_general3A {dimension_numbers = #tpu.dot_dimension_numbers<[1], [1], [0], [0], [0, 0, 1, 0], [], []>, precision = #tpu.contract_precision<fp32>, transpose_lhs_hint = false} : vector<1x256xf32>, vector<1024x256xf32>, vector<1x1024xf32> -> vector<1x1024xf32>
    %convert_element_type3A_6 = arith.truncf %get3A_3 : vector<1024x256xf32> to vector<1024x256xbf16>
    %convert_element_type3A_7 = arith.extf %convert_element_type3A_6 : vector<1024x256xbf16> to vector<1024x256xf32>
    %sub3A = arith.subf %get3A_3, %convert_element_type3A_7 : vector<1024x256xf32>
    %convert_element_type3A_8 = arith.truncf %sub3A : vector<1024x256xf32> to vector<1024x256xbf16>
    %convert_element_type3A_9 = arith.extf %convert_element_type3A_6 : vector<1024x256xbf16> to vector<1024x256xf32>
    %sub3A_10 = arith.subf %get3A_3, %convert_element_type3A_9 : vector<1024x256xf32>
    %convert_element_type3A_11 = arith.extf %convert_element_type3A_8 : vector<1024x256xbf16> to vector<1024x256xf32>
    %sub3A_12 = arith.subf %sub3A_10, %convert_element_type3A_11 : vector<1024x256xf32>
    %convert_element_type3A_13 = arith.truncf %sub3A_12 : vector<1024x256xf32> to vector<1024x256xbf16>
    %get3A_14 = arith.constant 0 : index
    %get3A_15 = arith.constant 0 : index
    %get3A_16 = vector.load %arg1[%get3A_14, %get3A_15] : memref<512x256xf32, #tpu.memory_space<vmem>>, vector<512x256xf32>
    %broadcast_in_dim3A_17 = arith.constant 0.000000e+00 : f32
    %broadcast_in_dim3A_18 = vector.broadcast %broadcast_in_dim3A_17 : f32 to vector<512x256xf32>
    %broadcast_in_dim3A_19 = arith.constant 0.000000e+00 : f32
    %broadcast_in_dim3A_20 = vector.broadcast %broadcast_in_dim3A_19 : f32 to vector<1x1xf32>
    %broadcast_in_dim3A_21 = arith.constant 0.000000e+00 : f32
    %broadcast_in_dim3A_22 = vector.broadcast %broadcast_in_dim3A_21 : f32 to vector<1x1024xf32>
    %iota3A = tpu.iota {dimensions = array<i32: 1>} : vector<512x1024xi32>
    %dot_general3A_23 = arith.constant dense<0.000000e+00> : vector<512x1024xf32>
    %dot_general3A_24 = tpu.matmul %get3A_16, %get3A_3, %dot_general3A_23 {dimension_numbers = #tpu.dot_dimension_numbers<[1], [1], [0], [0], [0, 0, 1, 0], [], []>, transpose_lhs_hint = false} : vector<512x256xf32>, vector<1024x256xf32>, vector<512x1024xf32> -> vector<512x1024xf32>
    %mul3A_25 = arith.mulf %get3A_16, %get3A_16 : vector<512x256xf32>
    %reduce_sum3A = arith.constant dense<0.000000e+00> : vector<512xf32>
    %reduce_sum3A_26 = vector.multi_reduction <add>, %mul3A_25, %reduce_sum3A [1] : vector<512x256xf32> to vector<512xf32>
    %broadcast_in_dim3A_27 = vector.shape_cast %reduce_sum3A_26 : vector<512xf32> to vector<512x1xf32>
    %add3A = vector.broadcast %broadcast_in_dim3A_27 : vector<512x1xf32> to vector<512x1024xf32>
    %add3A_28 = vector.broadcast %dot_general3A_5 : vector<1x1024xf32> to vector<512x1024xf32>
    %add3A_29 = arith.addf %add3A, %add3A_28 : vector<512x1024xf32>
    %mul3A_30 = arith.constant 2.000000e+00 : f32
    %mul3A_31 = vector.broadcast %mul3A_30 : f32 to vector<512x1024xf32>
    %mul3A_32 = arith.mulf %mul3A_31, %dot_general3A_24 : vector<512x1024xf32>
    %sub3A_33 = arith.subf %add3A_29, %mul3A_32 : vector<512x1024xf32>
    %reduce_min3A = arith.constant dense<0x7F800000> : vector<512xf32>
    %reduce_min3A_34 = vector.multi_reduction <minimumf>, %sub3A_33, %reduce_min3A [1] : vector<512x1024xf32> to vector<512xf32>
    %broadcast_in_dim3A_35 = vector.shape_cast %reduce_min3A_34 : vector<512xf32> to vector<512x1xf32>
    %le3A = vector.broadcast %broadcast_in_dim3A_35 : vector<512x1xf32> to vector<512x1024xf32>
    %le3A_36 = arith.cmpf ole, %sub3A_33, %le3A : vector<512x1024xf32>
    %jit3A = arith.constant 1024 : i32
    %broadcast_in_dim3A_37 = vector.broadcast %jit3A : i32 to vector<512x1024xi32>
    %select_n3A = arith.select %le3A_36, %iota3A, %broadcast_in_dim3A_37 : vector<512x1024xi1>, vector<512x1024xi32>
    %reduce_min3A_38 = arith.constant dense<2147483647> : vector<512xi32>
    %reduce_min3A_39 = vector.multi_reduction <minsi>, %select_n3A, %reduce_min3A_38 [1] : vector<512x1024xi32> to vector<512xi32>
    %broadcast_in_dim3A_40 = vector.shape_cast %reduce_min3A_39 : vector<512xi32> to vector<512x1xi32>
    %eq3A_41 = vector.broadcast %broadcast_in_dim3A_40 : vector<512x1xi32> to vector<512x1024xi32>
    %eq3A_42 = arith.cmpi eq, %iota3A, %eq3A_41 : vector<512x1024xi32>
    %convert_element_type3A_43 = arith.extui %eq3A_42 : vector<512x1024xi1> to vector<512x1024xi32>
    %convert_element_type3A_44 = arith.sitofp %convert_element_type3A_43 : vector<512x1024xi32> to vector<512x1024xf32>
    %reduce_sum3A_45 = arith.constant dense<0.000000e+00> : vector<1024xf32>
    %reduce_sum3A_46 = vector.multi_reduction <add>, %convert_element_type3A_44, %reduce_sum3A_45 [0] : vector<512x1024xf32> to vector<1024xf32>
    %broadcast_in_dim3A_47 = vector.shape_cast %reduce_sum3A_46 : vector<1024xf32> to vector<1x1024xf32>
    %add3A_48 = arith.addf %broadcast_in_dim3A_22, %broadcast_in_dim3A_47 : vector<1x1024xf32>
    %convert_element_type3A_49 = arith.truncf %convert_element_type3A_44 : vector<512x1024xf32> to vector<512x1024xbf16>
    %dot_general3A_50 = arith.constant dense<0.000000e+00> : vector<512x256xf32>
    %dot_general3A_51 = tpu.matmul %convert_element_type3A_49, %convert_element_type3A_6, %dot_general3A_50 {dimension_numbers = #tpu.dot_dimension_numbers<[1], [0], [0], [1], [0, 0, 1, 1], [], []>, transpose_lhs_hint = false} : vector<512x1024xbf16>, vector<1024x256xbf16>, vector<512x256xf32> -> vector<512x256xf32>
    %dot_general3A_52 = arith.constant dense<0.000000e+00> : vector<512x256xf32>
    %dot_general3A_53 = tpu.matmul %convert_element_type3A_49, %convert_element_type3A_8, %dot_general3A_52 {dimension_numbers = #tpu.dot_dimension_numbers<[1], [0], [0], [1], [0, 0, 1, 1], [], []>, transpose_lhs_hint = false} : vector<512x1024xbf16>, vector<1024x256xbf16>, vector<512x256xf32> -> vector<512x256xf32>
    %add3A_54 = arith.addf %dot_general3A_51, %dot_general3A_53 : vector<512x256xf32>
    %dot_general3A_55 = arith.constant dense<0.000000e+00> : vector<512x256xf32>
    %dot_general3A_56 = tpu.matmul %convert_element_type3A_49, %convert_element_type3A_13, %dot_general3A_55 {dimension_numbers = #tpu.dot_dimension_numbers<[1], [0], [0], [1], [0, 0, 1, 1], [], []>, transpose_lhs_hint = false} : vector<512x1024xbf16>, vector<1024x256xbf16>, vector<512x256xf32> -> vector<512x256xf32>
    %add3A_57 = arith.addf %add3A_54, %dot_general3A_56 : vector<512x256xf32>
    %add3A_58 = arith.addf %broadcast_in_dim3A_18, %add3A_57 : vector<512x256xf32>
    %sub3A_59 = arith.subf %get3A_16, %add3A_57 : vector<512x256xf32>
    %mul3A_60 = arith.mulf %sub3A_59, %sub3A_59 : vector<512x256xf32>
    %reduce_sum3A_61 = arith.constant dense<0.000000e+00> : vector<512xf32>
    %reduce_sum3A_62 = vector.multi_reduction <add>, %mul3A_60, %reduce_sum3A_61 [1] : vector<512x256xf32> to vector<512xf32>
    %broadcast_in_dim3A_63 = vector.shape_cast %reduce_sum3A_62 : vector<512xf32> to vector<512x1xf32>
    %reduce_sum3A_64 = arith.constant dense<0.000000e+00> : vector<1xf32>
    %reduce_sum3A_65 = vector.multi_reduction <add>, %broadcast_in_dim3A_63, %reduce_sum3A_64 [0] : vector<512x1xf32> to vector<1xf32>
    %broadcast_in_dim3A_66 = vector.shape_cast %reduce_sum3A_65 : vector<1xf32> to vector<1x1xf32>
    %add3A_67 = arith.addf %broadcast_in_dim3A_20, %broadcast_in_dim3A_66 : vector<1x1xf32>
    %dot_general3A_68 = arith.constant dense<0.000000e+00> : vector<512x1024xf32>
    %dot_general3A_69 = tpu.matmul %sub3A_59, %get3A_3, %dot_general3A_68 {dimension_numbers = #tpu.dot_dimension_numbers<[1], [1], [0], [0], [0, 0, 1, 0], [], []>, transpose_lhs_hint = false} : vector<512x256xf32>, vector<1024x256xf32>, vector<512x1024xf32> -> vector<512x1024xf32>
    %mul3A_70 = arith.mulf %sub3A_59, %sub3A_59 : vector<512x256xf32>
    %reduce_sum3A_71 = arith.constant dense<0.000000e+00> : vector<512xf32>
    %reduce_sum3A_72 = vector.multi_reduction <add>, %mul3A_70, %reduce_sum3A_71 [1] : vector<512x256xf32> to vector<512xf32>
    %broadcast_in_dim3A_73 = vector.shape_cast %reduce_sum3A_72 : vector<512xf32> to vector<512x1xf32>
    %add3A_74 = vector.broadcast %broadcast_in_dim3A_73 : vector<512x1xf32> to vector<512x1024xf32>
    %add3A_75 = vector.broadcast %dot_general3A_5 : vector<1x1024xf32> to vector<512x1024xf32>
    %add3A_76 = arith.addf %add3A_74, %add3A_75 : vector<512x1024xf32>
    %mul3A_77 = arith.constant 2.000000e+00 : f32
    %mul3A_78 = vector.broadcast %mul3A_77 : f32 to vector<512x1024xf32>
    %mul3A_79 = arith.mulf %mul3A_78, %dot_general3A_69 : vector<512x1024xf32>
    %sub3A_80 = arith.subf %add3A_76, %mul3A_79 : vector<512x1024xf32>
    %reduce_min3A_81 = arith.constant dense<0x7F800000> : vector<512xf32>
    %reduce_min3A_82 = vector.multi_reduction <minimumf>, %sub3A_80, %reduce_min3A_81 [1] : vector<512x1024xf32> to vector<512xf32>
    %broadcast_in_dim3A_83 = vector.shape_cast %reduce_min3A_82 : vector<512xf32> to vector<512x1xf32>
    %le3A_84 = vector.broadcast %broadcast_in_dim3A_83 : vector<512x1xf32> to vector<512x1024xf32>
    %le3A_85 = arith.cmpf ole, %sub3A_80, %le3A_84 : vector<512x1024xf32>
    %jit3A_86 = arith.constant 1024 : i32
    %broadcast_in_dim3A_87 = vector.broadcast %jit3A_86 : i32 to vector<512x1024xi32>
    %select_n3A_88 = arith.select %le3A_85, %iota3A, %broadcast_in_dim3A_87 : vector<512x1024xi1>, vector<512x1024xi32>
    %reduce_min3A_89 = arith.constant dense<2147483647> : vector<512xi32>
    %reduce_min3A_90 = vector.multi_reduction <minsi>, %select_n3A_88, %reduce_min3A_89 [1] : vector<512x1024xi32> to vector<512xi32>
    %broadcast_in_dim3A_91 = vector.shape_cast %reduce_min3A_90 : vector<512xi32> to vector<512x1xi32>
    %eq3A_92 = vector.broadcast %broadcast_in_dim3A_91 : vector<512x1xi32> to vector<512x1024xi32>
    %eq3A_93 = arith.cmpi eq, %iota3A, %eq3A_92 : vector<512x1024xi32>
    %convert_element_type3A_94 = arith.extui %eq3A_93 : vector<512x1024xi1> to vector<512x1024xi32>
    %convert_element_type3A_95 = arith.sitofp %convert_element_type3A_94 : vector<512x1024xi32> to vector<512x1024xf32>
    %reduce_sum3A_96 = arith.constant dense<0.000000e+00> : vector<1024xf32>
    %reduce_sum3A_97 = vector.multi_reduction <add>, %convert_element_type3A_95, %reduce_sum3A_96 [0] : vector<512x1024xf32> to vector<1024xf32>
    %broadcast_in_dim3A_98 = vector.shape_cast %reduce_sum3A_97 : vector<1024xf32> to vector<1x1024xf32>
    %add3A_99 = arith.addf %add3A_48, %broadcast_in_dim3A_98 : vector<1x1024xf32>
    %convert_element_type3A_100 = arith.truncf %convert_element_type3A_95 : vector<512x1024xf32> to vector<512x1024xbf16>
    %dot_general3A_101 = arith.constant dense<0.000000e+00> : vector<512x256xf32>
    %dot_general3A_102 = tpu.matmul %convert_element_type3A_100, %convert_element_type3A_6, %dot_general3A_101 {dimension_numbers = #tpu.dot_dimension_numbers<[1], [0], [0], [1], [0, 0, 1, 1], [], []>, transpose_lhs_hint = false} : vector<512x1024xbf16>, vector<1024x256xbf16>, vector<512x256xf32> -> vector<512x256xf32>
    %dot_general3A_103 = arith.constant dense<0.000000e+00> : vector<512x256xf32>
    %dot_general3A_104 = tpu.matmul %convert_element_type3A_100, %convert_element_type3A_8, %dot_general3A_103 {dimension_numbers = #tpu.dot_dimension_numbers<[1], [0], [0], [1], [0, 0, 1, 1], [], []>, transpose_lhs_hint = false} : vector<512x1024xbf16>, vector<1024x256xbf16>, vector<512x256xf32> -> vector<512x256xf32>
    %add3A_105 = arith.addf %dot_general3A_102, %dot_general3A_104 : vector<512x256xf32>
    %dot_general3A_106 = arith.constant dense<0.000000e+00> : vector<512x256xf32>
    %dot_general3A_107 = tpu.matmul %convert_element_type3A_100, %convert_element_type3A_13, %dot_general3A_106 {dimension_numbers = #tpu.dot_dimension_numbers<[1], [0], [0], [1], [0, 0, 1, 1], [], []>, transpose_lhs_hint = false} : vector<512x1024xbf16>, vector<1024x256xbf16>, vector<512x256xf32> -> vector<512x256xf32>
    %add3A_108 = arith.addf %add3A_105, %dot_general3A_107 : vector<512x256xf32>
    %add3A_109 = arith.addf %add3A_58, %add3A_108 : vector<512x256xf32>
    %sub3A_110 = arith.subf %sub3A_59, %add3A_108 : vector<512x256xf32>
    %mul3A_111 = arith.mulf %sub3A_110, %sub3A_110 : vector<512x256xf32>
    %reduce_sum3A_112 = arith.constant dense<0.000000e+00> : vector<512xf32>
    %reduce_sum3A_113 = vector.multi_reduction <add>, %mul3A_111, %reduce_sum3A_112 [1] : vector<512x256xf32> to vector<512xf32>
    %broadcast_in_dim3A_114 = vector.shape_cast %reduce_sum3A_113 : vector<512xf32> to vector<512x1xf32>
    %reduce_sum3A_115 = arith.constant dense<0.000000e+00> : vector<1xf32>
    %reduce_sum3A_116 = vector.multi_reduction <add>, %broadcast_in_dim3A_114, %reduce_sum3A_115 [0] : vector<512x1xf32> to vector<1xf32>
    %broadcast_in_dim3A_117 = vector.shape_cast %reduce_sum3A_116 : vector<1xf32> to vector<1x1xf32>
    %add3A_118 = arith.addf %add3A_67, %broadcast_in_dim3A_117 : vector<1x1xf32>
    %dot_general3A_119 = arith.constant dense<0.000000e+00> : vector<512x1024xf32>
    %dot_general3A_120 = tpu.matmul %sub3A_110, %get3A_3, %dot_general3A_119 {dimension_numbers = #tpu.dot_dimension_numbers<[1], [1], [0], [0], [0, 0, 1, 0], [], []>, transpose_lhs_hint = false} : vector<512x256xf32>, vector<1024x256xf32>, vector<512x1024xf32> -> vector<512x1024xf32>
    %mul3A_121 = arith.mulf %sub3A_110, %sub3A_110 : vector<512x256xf32>
    %reduce_sum3A_122 = arith.constant dense<0.000000e+00> : vector<512xf32>
    %reduce_sum3A_123 = vector.multi_reduction <add>, %mul3A_121, %reduce_sum3A_122 [1] : vector<512x256xf32> to vector<512xf32>
    %broadcast_in_dim3A_124 = vector.shape_cast %reduce_sum3A_123 : vector<512xf32> to vector<512x1xf32>
    %add3A_125 = vector.broadcast %broadcast_in_dim3A_124 : vector<512x1xf32> to vector<512x1024xf32>
    %add3A_126 = vector.broadcast %dot_general3A_5 : vector<1x1024xf32> to vector<512x1024xf32>
    %add3A_127 = arith.addf %add3A_125, %add3A_126 : vector<512x1024xf32>
    %mul3A_128 = arith.constant 2.000000e+00 : f32
    %mul3A_129 = vector.broadcast %mul3A_128 : f32 to vector<512x1024xf32>
    %mul3A_130 = arith.mulf %mul3A_129, %dot_general3A_120 : vector<512x1024xf32>
    %sub3A_131 = arith.subf %add3A_127, %mul3A_130 : vector<512x1024xf32>
    %reduce_min3A_132 = arith.constant dense<0x7F800000> : vector<512xf32>
    %reduce_min3A_133 = vector.multi_reduction <minimumf>, %sub3A_131, %reduce_min3A_132 [1] : vector<512x1024xf32> to vector<512xf32>
    %broadcast_in_dim3A_134 = vector.shape_cast %reduce_min3A_133 : vector<512xf32> to vector<512x1xf32>
    %le3A_135 = vector.broadcast %broadcast_in_dim3A_134 : vector<512x1xf32> to vector<512x1024xf32>
    %le3A_136 = arith.cmpf ole, %sub3A_131, %le3A_135 : vector<512x1024xf32>
    %jit3A_137 = arith.constant 1024 : i32
    %broadcast_in_dim3A_138 = vector.broadcast %jit3A_137 : i32 to vector<512x1024xi32>
    %select_n3A_139 = arith.select %le3A_136, %iota3A, %broadcast_in_dim3A_138 : vector<512x1024xi1>, vector<512x1024xi32>
    %reduce_min3A_140 = arith.constant dense<2147483647> : vector<512xi32>
    %reduce_min3A_141 = vector.multi_reduction <minsi>, %select_n3A_139, %reduce_min3A_140 [1] : vector<512x1024xi32> to vector<512xi32>
    %broadcast_in_dim3A_142 = vector.shape_cast %reduce_min3A_141 : vector<512xi32> to vector<512x1xi32>
    %eq3A_143 = vector.broadcast %broadcast_in_dim3A_142 : vector<512x1xi32> to vector<512x1024xi32>
    %eq3A_144 = arith.cmpi eq, %iota3A, %eq3A_143 : vector<512x1024xi32>
    %convert_element_type3A_145 = arith.extui %eq3A_144 : vector<512x1024xi1> to vector<512x1024xi32>
    %convert_element_type3A_146 = arith.sitofp %convert_element_type3A_145 : vector<512x1024xi32> to vector<512x1024xf32>
    %reduce_sum3A_147 = arith.constant dense<0.000000e+00> : vector<1024xf32>
    %reduce_sum3A_148 = vector.multi_reduction <add>, %convert_element_type3A_146, %reduce_sum3A_147 [0] : vector<512x1024xf32> to vector<1024xf32>
    %broadcast_in_dim3A_149 = vector.shape_cast %reduce_sum3A_148 : vector<1024xf32> to vector<1x1024xf32>
    %add3A_150 = arith.addf %add3A_99, %broadcast_in_dim3A_149 : vector<1x1024xf32>
    %convert_element_type3A_151 = arith.truncf %convert_element_type3A_146 : vector<512x1024xf32> to vector<512x1024xbf16>
    %dot_general3A_152 = arith.constant dense<0.000000e+00> : vector<512x256xf32>
    %dot_general3A_153 = tpu.matmul %convert_element_type3A_151, %convert_element_type3A_6, %dot_general3A_152 {dimension_numbers = #tpu.dot_dimension_numbers<[1], [0], [0], [1], [0, 0, 1, 1], [], []>, transpose_lhs_hint = false} : vector<512x1024xbf16>, vector<1024x256xbf16>, vector<512x256xf32> -> vector<512x256xf32>
    %dot_general3A_154 = arith.constant dense<0.000000e+00> : vector<512x256xf32>
    %dot_general3A_155 = tpu.matmul %convert_element_type3A_151, %convert_element_type3A_8, %dot_general3A_154 {dimension_numbers = #tpu.dot_dimension_numbers<[1], [0], [0], [1], [0, 0, 1, 1], [], []>, transpose_lhs_hint = false} : vector<512x1024xbf16>, vector<1024x256xbf16>, vector<512x256xf32> -> vector<512x256xf32>
    %add3A_156 = arith.addf %dot_general3A_153, %dot_general3A_155 : vector<512x256xf32>
    %dot_general3A_157 = arith.constant dense<0.000000e+00> : vector<512x256xf32>
    %dot_general3A_158 = tpu.matmul %convert_element_type3A_151, %convert_element_type3A_13, %dot_general3A_157 {dimension_numbers = #tpu.dot_dimension_numbers<[1], [0], [0], [1], [0, 0, 1, 1], [], []>, transpose_lhs_hint = false} : vector<512x1024xbf16>, vector<1024x256xbf16>, vector<512x256xf32> -> vector<512x256xf32>
    %add3A_159 = arith.addf %add3A_156, %dot_general3A_158 : vector<512x256xf32>
    %add3A_160 = arith.addf %add3A_109, %add3A_159 : vector<512x256xf32>
    %sub3A_161 = arith.subf %sub3A_110, %add3A_159 : vector<512x256xf32>
    %mul3A_162 = arith.mulf %sub3A_161, %sub3A_161 : vector<512x256xf32>
    %reduce_sum3A_163 = arith.constant dense<0.000000e+00> : vector<512xf32>
    %reduce_sum3A_164 = vector.multi_reduction <add>, %mul3A_162, %reduce_sum3A_163 [1] : vector<512x256xf32> to vector<512xf32>
    %broadcast_in_dim3A_165 = vector.shape_cast %reduce_sum3A_164 : vector<512xf32> to vector<512x1xf32>
    %reduce_sum3A_166 = arith.constant dense<0.000000e+00> : vector<1xf32>
    %reduce_sum3A_167 = vector.multi_reduction <add>, %broadcast_in_dim3A_165, %reduce_sum3A_166 [0] : vector<512x1xf32> to vector<1xf32>
    %broadcast_in_dim3A_168 = vector.shape_cast %reduce_sum3A_167 : vector<1xf32> to vector<1x1xf32>
    %add3A_169 = arith.addf %add3A_118, %broadcast_in_dim3A_168 : vector<1x1xf32>
    %dot_general3A_170 = arith.constant dense<0.000000e+00> : vector<512x1024xf32>
    %dot_general3A_171 = tpu.matmul %sub3A_161, %get3A_3, %dot_general3A_170 {dimension_numbers = #tpu.dot_dimension_numbers<[1], [1], [0], [0], [0, 0, 1, 0], [], []>, transpose_lhs_hint = false} : vector<512x256xf32>, vector<1024x256xf32>, vector<512x1024xf32> -> vector<512x1024xf32>
    %mul3A_172 = arith.mulf %sub3A_161, %sub3A_161 : vector<512x256xf32>
    %reduce_sum3A_173 = arith.constant dense<0.000000e+00> : vector<512xf32>
    %reduce_sum3A_174 = vector.multi_reduction <add>, %mul3A_172, %reduce_sum3A_173 [1] : vector<512x256xf32> to vector<512xf32>
    %broadcast_in_dim3A_175 = vector.shape_cast %reduce_sum3A_174 : vector<512xf32> to vector<512x1xf32>
    %add3A_176 = vector.broadcast %broadcast_in_dim3A_175 : vector<512x1xf32> to vector<512x1024xf32>
    %add3A_177 = vector.broadcast %dot_general3A_5 : vector<1x1024xf32> to vector<512x1024xf32>
    %add3A_178 = arith.addf %add3A_176, %add3A_177 : vector<512x1024xf32>
    %mul3A_179 = arith.constant 2.000000e+00 : f32
    %mul3A_180 = vector.broadcast %mul3A_179 : f32 to vector<512x1024xf32>
    %mul3A_181 = arith.mulf %mul3A_180, %dot_general3A_171 : vector<512x1024xf32>
    %sub3A_182 = arith.subf %add3A_178, %mul3A_181 : vector<512x1024xf32>
    %reduce_min3A_183 = arith.constant dense<0x7F800000> : vector<512xf32>
    %reduce_min3A_184 = vector.multi_reduction <minimumf>, %sub3A_182, %reduce_min3A_183 [1] : vector<512x1024xf32> to vector<512xf32>
    %broadcast_in_dim3A_185 = vector.shape_cast %reduce_min3A_184 : vector<512xf32> to vector<512x1xf32>
    %le3A_186 = vector.broadcast %broadcast_in_dim3A_185 : vector<512x1xf32> to vector<512x1024xf32>
    %le3A_187 = arith.cmpf ole, %sub3A_182, %le3A_186 : vector<512x1024xf32>
    %jit3A_188 = arith.constant 1024 : i32
    %broadcast_in_dim3A_189 = vector.broadcast %jit3A_188 : i32 to vector<512x1024xi32>
    %select_n3A_190 = arith.select %le3A_187, %iota3A, %broadcast_in_dim3A_189 : vector<512x1024xi1>, vector<512x1024xi32>
    %reduce_min3A_191 = arith.constant dense<2147483647> : vector<512xi32>
    %reduce_min3A_192 = vector.multi_reduction <minsi>, %select_n3A_190, %reduce_min3A_191 [1] : vector<512x1024xi32> to vector<512xi32>
    %broadcast_in_dim3A_193 = vector.shape_cast %reduce_min3A_192 : vector<512xi32> to vector<512x1xi32>
    %eq3A_194 = vector.broadcast %broadcast_in_dim3A_193 : vector<512x1xi32> to vector<512x1024xi32>
    %eq3A_195 = arith.cmpi eq, %iota3A, %eq3A_194 : vector<512x1024xi32>
    %convert_element_type3A_196 = arith.extui %eq3A_195 : vector<512x1024xi1> to vector<512x1024xi32>
    %convert_element_type3A_197 = arith.sitofp %convert_element_type3A_196 : vector<512x1024xi32> to vector<512x1024xf32>
    %reduce_sum3A_198 = arith.constant dense<0.000000e+00> : vector<1024xf32>
    %reduce_sum3A_199 = vector.multi_reduction <add>, %convert_element_type3A_197, %reduce_sum3A_198 [0] : vector<512x1024xf32> to vector<1024xf32>
    %broadcast_in_dim3A_200 = vector.shape_cast %reduce_sum3A_199 : vector<1024xf32> to vector<1x1024xf32>
    %add3A_201 = arith.addf %add3A_150, %broadcast_in_dim3A_200 : vector<1x1024xf32>
    %convert_element_type3A_202 = arith.truncf %convert_element_type3A_197 : vector<512x1024xf32> to vector<512x1024xbf16>
    %dot_general3A_203 = arith.constant dense<0.000000e+00> : vector<512x256xf32>
    %dot_general3A_204 = tpu.matmul %convert_element_type3A_202, %convert_element_type3A_6, %dot_general3A_203 {dimension_numbers = #tpu.dot_dimension_numbers<[1], [0], [0], [1], [0, 0, 1, 1], [], []>, transpose_lhs_hint = false} : vector<512x1024xbf16>, vector<1024x256xbf16>, vector<512x256xf32> -> vector<512x256xf32>
    %dot_general3A_205 = arith.constant dense<0.000000e+00> : vector<512x256xf32>
    %dot_general3A_206 = tpu.matmul %convert_element_type3A_202, %convert_element_type3A_8, %dot_general3A_205 {dimension_numbers = #tpu.dot_dimension_numbers<[1], [0], [0], [1], [0, 0, 1, 1], [], []>, transpose_lhs_hint = false} : vector<512x1024xbf16>, vector<1024x256xbf16>, vector<512x256xf32> -> vector<512x256xf32>
    %add3A_207 = arith.addf %dot_general3A_204, %dot_general3A_206 : vector<512x256xf32>
    %dot_general3A_208 = arith.constant dense<0.000000e+00> : vector<512x256xf32>
    %dot_general3A_209 = tpu.matmul %convert_element_type3A_202, %convert_element_type3A_13, %dot_general3A_208 {dimension_numbers = #tpu.dot_dimension_numbers<[1], [0], [0], [1], [0, 0, 1, 1], [], []>, transpose_lhs_hint = false} : vector<512x1024xbf16>, vector<1024x256xbf16>, vector<512x256xf32> -> vector<512x256xf32>
    %add3A_210 = arith.addf %add3A_207, %dot_general3A_209 : vector<512x256xf32>
    %add3A_211 = arith.addf %add3A_160, %add3A_210 : vector<512x256xf32>
    %sub3A_212 = arith.subf %sub3A_161, %add3A_210 : vector<512x256xf32>
    %mul3A_213 = arith.mulf %sub3A_212, %sub3A_212 : vector<512x256xf32>
    %reduce_sum3A_214 = arith.constant dense<0.000000e+00> : vector<512xf32>
    %reduce_sum3A_215 = vector.multi_reduction <add>, %mul3A_213, %reduce_sum3A_214 [1] : vector<512x256xf32> to vector<512xf32>
    %broadcast_in_dim3A_216 = vector.shape_cast %reduce_sum3A_215 : vector<512xf32> to vector<512x1xf32>
    %reduce_sum3A_217 = arith.constant dense<0.000000e+00> : vector<1xf32>
    %reduce_sum3A_218 = vector.multi_reduction <add>, %broadcast_in_dim3A_216, %reduce_sum3A_217 [0] : vector<512x1xf32> to vector<1xf32>
    %broadcast_in_dim3A_219 = vector.shape_cast %reduce_sum3A_218 : vector<1xf32> to vector<1x1xf32>
    %add3A_220 = arith.addf %add3A_169, %broadcast_in_dim3A_219 : vector<1x1xf32>
    %swap3A = arith.constant 0 : index
    %swap3A_221 = arith.constant 0 : index
    %swap3A_222 = vector.load %arg3[%swap3A, %swap3A_221] : memref<512x256xf32, #tpu.memory_space<vmem>>, vector<512x256xf32>
    tpu.vector_store %arg3[%swap3A, %swap3A_221], %add3A_211 {strides = array<i32>} : memref<512x256xf32, #tpu.memory_space<vmem>>, vector<512x256xf32>,
    %concatenate3A = tpu.concatenate %broadcast_in_dim3A_40, %broadcast_in_dim3A_91, %broadcast_in_dim3A_142, %broadcast_in_dim3A_193 in 1 : vector<512x1xi32>, vector<512x1xi32>, vector<512x1xi32>, vector<512x1xi32> -> vector<512x4xi32>
    %swap3A_223 = arith.constant 0 : index
    %swap3A_224 = arith.constant 0 : index
    %swap3A_225 = vector.load %arg4[%swap3A_223, %swap3A_224] : memref<512x4xi32, #tpu.memory_space<vmem>>, vector<512x4xi32>
    tpu.vector_store %arg4[%swap3A_223, %swap3A_224], %concatenate3A {strides = array<i32>} : memref<512x4xi32, #tpu.memory_space<vmem>>, vector<512x4xi32>,
    %get3A_226 = arith.constant 0 : index
    %get3A_227 = arith.constant 0 : index
    %get3A_228 = vector.load %arg5[%get3A_226, %get3A_227] : memref<1x1xf32, #tpu.memory_space<vmem>>, vector<1x1xf32>
    %add3A_229 = arith.addf %get3A_228, %add3A_220 : vector<1x1xf32>
    %swap3A_230 = arith.constant 0 : index
    %swap3A_231 = arith.constant 0 : index
    %swap3A_232 = vector.load %arg5[%swap3A_230, %swap3A_231] : memref<1x1xf32, #tpu.memory_space<vmem>>, vector<1x1xf32>
    tpu.vector_store %arg5[%swap3A_230, %swap3A_231], %add3A_229 {strides = array<i32>} : memref<1x1xf32, #tpu.memory_space<vmem>>, vector<1x1xf32>,
    %get3A_233 = arith.constant 0 : index
    %get3A_234 = arith.constant 0 : index
    %get3A_235 = vector.load %arg7[%get3A_233, %get3A_234] : memref<1x1024xf32, #tpu.memory_space<vmem>>, vector<1x1024xf32>
    %add3A_236 = arith.addf %get3A_235, %add3A_201 : vector<1x1024xf32>
    %swap3A_237 = arith.constant 0 : index
    %swap3A_238 = arith.constant 0 : index
    %swap3A_239 = vector.load %arg7[%swap3A_237, %swap3A_238] : memref<1x1024xf32, #tpu.memory_space<vmem>>, vector<1x1024xf32>
    tpu.vector_store %arg7[%swap3A_237, %swap3A_238], %add3A_236 {strides = array<i32>} : memref<1x1024xf32, #tpu.memory_space<vmem>>, vector<1x1024xf32>,
    %eq3A_240 = arith.constant 15 : i32
    %eq3A_241 = arith.cmpi eq, %arg0, %eq3A_240 : i32
    %convert_element_type3A_242 = arith.extui %eq3A_241 : i1 to i32
    %cond3A_243 = arith.constant 0 : i32
    %cond3A_244 = arith.cmpi ne, %convert_element_type3A_242, %cond3A_243 : i32
    scf.if %cond3A_244 {
      %get3A_245 = arith.constant 0 : index
      %get3A_246 = arith.constant 0 : index
      %get3A_247 = vector.load %arg5[%get3A_245, %get3A_246] : memref<1x1xf32, #tpu.memory_space<vmem>>, vector<1x1xf32>
      %mul3A_248 = arith.constant 1.1920929E-7 : f32
      %mul3A_249 = vector.broadcast %mul3A_248 : f32 to vector<1x1xf32>
      %mul3A_250 = arith.mulf %get3A_247, %mul3A_249 : vector<1x1xf32>
      %swap3A_251 = arith.constant 0 : index
      %swap3A_252 = arith.constant 0 : index
      %swap3A_253 = vector.load %arg5[%swap3A_251, %swap3A_252] : memref<1x1xf32, #tpu.memory_space<vmem>>, vector<1x1xf32>
      tpu.vector_store %arg5[%swap3A_251, %swap3A_252], %mul3A_250 {strides = array<i32>} : memref<1x1xf32, #tpu.memory_space<vmem>>, vector<1x1xf32>,
      %get3A_254 = arith.constant 0 : index
      %get3A_255 = arith.constant 0 : index
      %get3A_256 = vector.load %arg7[%get3A_254, %get3A_255] : memref<1x1024xf32, #tpu.memory_space<vmem>>, vector<1x1024xf32>
      %mul3A_257 = arith.constant 3.05175781E-5 : f32
      %mul3A_258 = vector.broadcast %mul3A_257 : f32 to vector<1x1024xf32>
      %mul3A_259 = arith.mulf %get3A_256, %mul3A_258 : vector<1x1024xf32>
      %add3A_260 = arith.constant 1.000000e-10 : f32
      %add3A_261 = vector.broadcast %add3A_260 : f32 to vector<1x1024xf32>
      %add3A_262 = arith.addf %mul3A_259, %add3A_261 : vector<1x1024xf32>
      %log3A = math.log %add3A_262 : vector<1x1024xf32>
      %mul3A_263 = arith.mulf %mul3A_259, %log3A : vector<1x1024xf32>
      %reduce_sum3A_264 = arith.constant dense<0.000000e+00> : vector<1xf32>
      %reduce_sum3A_265 = vector.multi_reduction <add>, %mul3A_263, %reduce_sum3A_264 [1] : vector<1x1024xf32> to vector<1xf32>
      %broadcast_in_dim3A_266 = vector.shape_cast %reduce_sum3A_265 : vector<1xf32> to vector<1x1xf32>
      %neg3A = arith.constant 0.000000e+00 : f32
      %neg3A_267 = vector.broadcast %neg3A : f32 to vector<1x1xf32>
      %neg3A_268 = arith.subf %neg3A_267, %broadcast_in_dim3A_266 : vector<1x1xf32>
      %exp3A = math.exp %neg3A_268 : vector<1x1xf32>
      %swap3A_269 = arith.constant 0 : index
      %swap3A_270 = arith.constant 0 : index
      %swap3A_271 = vector.load %arg6[%swap3A_269, %swap3A_270] : memref<1x1xf32, #tpu.memory_space<vmem>>, vector<1x1xf32>
      tpu.vector_store %arg6[%swap3A_269, %swap3A_270], %exp3A {strides = array<i32>} : memref<1x1xf32, #tpu.memory_space<vmem>>, vector<1x1xf32>,
    } else {
    }
    return
  }
  func.func @transform_0(%arg0: i32) -> (i32, i32) {
    %c0_i32 = arith.constant 0 : i32
    %c0_i32_0 = arith.constant 0 : i32
    return %arg0, %c0_i32 : i32, i32
  }
  func.func @transform_1(%arg0: i32) -> (i32, i32) {
    %c0_i32 = arith.constant 0 : i32
    %c0_i32_0 = arith.constant 0 : i32
    %c0_i32_1 = arith.constant 0 : i32
    return %c0_i32, %c0_i32_0 : i32, i32
  }
  func.func @transform_2(%arg0: i32) -> (i32, i32) {
    %c0_i32 = arith.constant 0 : i32
    %c0_i32_0 = arith.constant 0 : i32
    return %arg0, %c0_i32 : i32, i32
  }
  func.func @transform_3(%arg0: i32) -> (i32, i32) {
    %c0_i32 = arith.constant 0 : i32
    %c0_i32_0 = arith.constant 0 : i32
    return %arg0, %c0_i32 : i32, i32
  }
  func.func @transform_4(%arg0: i32) -> (i32, i32) {
    %c0_i32 = arith.constant 0 : i32
    %c0_i32_0 = arith.constant 0 : i32
    %c0_i32_1 = arith.constant 0 : i32
    return %c0_i32, %c0_i32_0 : i32, i32
  }
  func.func @transform_5(%arg0: i32) -> (i32, i32) {
    %c0_i32 = arith.constant 0 : i32
    %c0_i32_0 = arith.constant 0 : i32
    %c0_i32_1 = arith.constant 0 : i32
    return %c0_i32, %c0_i32_0 : i32, i32
  }
}

</mosaic_0001>

<sc_bundles>
// kernel: kernel.4.cloned.1.call-start
scs
__scs_entry_jumppad:
0x0: {  	(pc) =	sbr.rel $0x88, $3  }
0x1: {  	(tag) =	ssettag $0x0;
	lr =	simm.s32 $0x1  }
0x2: {  	[smem:$0x3F9F] =	sst lr;
	_ =	strace $0xD0000000  }
0x3: {  	_ = 	snop  }
0x4: {  	_ = 	snop  }
0x5: {  	_ = 	snop  }
0x6: {  	_ = 	snop  }
0x7: {  	_ = 	snop  }
__scs_overlays_trampoline_lowered:
0x8: {  	[smem:$0x3FAE] =	sst s0  }
0x9: {  	[smem:$0x3FAF] =	sst s1  }
0xa: {  	[smem:$0x3FB0] =	sst s2  }
0xb: {  	[smem:$0x3FB1] =	sst s3  }
0xc: {  	[smem:$0x3FB2] =	sst s4  }
0xd: {  	[smem:$0x3FB3] =	sst s5  }
0xe: {  	[smem:$0x3FB4] =	sst s6  }
0xf: {  	[smem:$0x3FB5] =	sst s7  }
0x10: {  	[smem:$0x3FB6] =	sst s8  }
0x11: {  	[smem:$0x3FB7] =	sst s9;
	s0 =	simm.s32 @!p0 $0x0  }
0x12: {  	s1 =	sld [smem:$0x3F9D];
	s0 =	simm.s32 @p0 $0x1  }
0x13: {  	[smem:$0x3FB8] =	sst s0;
	s0 =	simm.s32 @!p1 $0x0  }
0x14: {  	s2 =	sld [smem:$0x3F9C];
	s0 =	simm.s32 @p1 $0x1  }
0x15: {  	[smem:$0x3FB9] =	sst s0;
	s0 =	simm.s32 @!p2 $0x0  }
0x16: {  	s3 =	sld [smem:$0x3FDB];
	s0 =	simm.s32 @p2 $0x1  }
0x17: {  	s4 =	simm.s32 $0x1BF5;
	[smem:$0x3FBB] =	sst s0  }
0x18: {  	s0 =	sld [smem:$0x3F9E];
	_ =	swait.ge [sflag:s4], $0x0  }
0x19: {  	s7 =	sld [smem:$0x3F9F]  }
0x1a: {  	s8 =	sadd.s32 $0xFFFFE003, lr  }
0x1b: {  	s9 =	sadd.s32 $0xFFFFFEF7, lr;
	s5 =	simm.s32 $0xFFFFFFFF;
	p2 =	slt.u32 s8, $0xFFFFF086  }
0x1c: {  	p1 =	slt.u32 s9, $0xF7A;
	s5 =	simm.s32 @!p2 $0x0  }
0x1d: {  	s5 =	simm.s32 @p1 $0x1;
	p0 =	seq.s32 s7, s2  }
0x1e: {  	s7 =	smul.u32 @!p0 $0xF7A, s2;
	p2 =	seq.s32 @!p0 s5, $0x0  }
0x1f: {  	s9 =	smul.u32 $0xF7A, s1;
	s8 =	simm.s32 @!p0 $0x1BF5;
	p2 =	por !p2, p0  }
0x20: {  	[sflag:s8] =	ssyncset.s32 @!p0 $0xFFFFF086;
	s6 =	sadd.s32 @!p0 s3, s7;
	s7 =	simm.s32 @!p0 $0x108  }
0x21: {  	s3 =	sadd.s32 s3, s9;
	s6 =	sadd.s32 @!p0 $0x88, s6;
	s7 =	simm.s32 @p2 $0x1082  }
0x22: {  	[simem:s7], [sflag:s8] =	dma.local @!p0 [hbm:s6], $0xF7A  }
0x23: {  	s9 =	sor.u32 $0xD0000000, s2;
	s6 =	simm.s32 $0x108;
	_ =	swait.ge @!p0 [sflag:s8], $0x0  }
0x24: {  	s3 =	sadd.s32 $0x88, s3;
	s6 =	simm.s32 @!p1 $0x1082;
	[sflag:s4] =	ssyncset.s32 $0xFFFFF086  }
0x25: {  	[simem:s6], [sflag:s4] =	dma.local [hbm:s3], $0xF7A  }
0x26: {  	[smem:$0x3F9F] =	sst s1;
	(tag) =	ssettag s2;
	_ =	strace s9  }
0x27: {  	s1 =	sld [smem:$0x3FAF]  }
0x28: {  	s2 =	sld [smem:$0x3FB0]  }
0x29: {  	s4 =	sld [smem:$0x3FB2]  }
0x2a: {  	p0 =	seq.s32 s5, $0x0;
	s5 =	sld [smem:$0x3FB3]  }
0x2b: {  	s6 =	sld [smem:$0x3FB4]  }
0x2c: {  	s7 =	sld [smem:$0x3FB5]  }
0x2d: {  	s3 =	simm.s32 $0x108;
	s8 =	sld [smem:$0x3FB6]  }
0x2e: {  	s3 =	simm.s32 @!p0 $0x1082;
	s9 =	sld [smem:$0x3FB7]  }
0x2f: {  	lr =	sadd.s32 s0, s3;
	s0 =	sld [smem:$0x3FAE]  }
0x30: {  	s3 =	sld [smem:$0x3FB1]  }
0x31: {  	[smem:$0x3FBA] =	sst s10  }
0x32: {  	s10 =	sld [smem:$0x3FB8];
	_ =	sdelay $0x3  }
0x33: {  	p0 =	seq.s32 s10, $0x1;
	s10 =	sld [smem:$0x3FBA];
	_ =	sdelay $0x3  }
0x34: {  	[smem:$0x3FBA] =	sst s10  }
0x35: {  	s10 =	sld [smem:$0x3FB9];
	_ =	sdelay $0x3  }
0x36: {  	p1 =	seq.s32 s10, $0x1;
	s10 =	sld [smem:$0x3FBA];
	_ =	sdelay $0x3  }
0x37: {  	[smem:$0x3FBA] =	sst s10  }
0x38: {  	s10 =	sld [smem:$0x3FBB]  }
0x39: {  	_ = 	snop;
	(pc) =	sbr.ind lr, $3  }
0x3a: {  	_ = 	snop  }
0x3b: {  	_ = 	snop  }
0x3c: {  	p2 =	seq.s32 s10, $0x1;
	s10 =	sld [smem:$0x3FBA]  }
0x3d: {  	_ =	shalt  }
0x3e: {  	_ =	shalt  }
0x3f: {  	_ =	shalt  }
0x40: {  	_ =	shalt  }
0x41: {  	_ =	shalt  }
0x42: {  	_ =	shalt  }
0x43: {  	_ =	shalt  }
0x44: {  	_ =	shalt  }
0x45: {  	_ =	shalt  }
0x46: {  	_ =	shalt  }
0x47: {  	_ =	shalt  }
0x48: {  	_ =	shalt  }
0x49: {  	_ =	shalt  }
0x4a: {  	_ =	shalt  }
0x4b: {  	_ =	shalt  }
0x4c: {  	_ =	shalt  }
0x4d: {  	_ =	shalt  }
0x4e: {  	_ =	shalt  }
0x4f: {  	_ =	shalt  }
0x50: {  	_ =	shalt  }
0x51: {  	_ =	shalt  }
0x52: {  	_ =	shalt  }
0x53: {  	_ =	shalt  }
0x54: {  	_ =	shalt  }
0x55: {  	_ =	shalt  }
0x56: {  	_ =	shalt  }
0x57: {  	_ =	shalt  }
0x58: {  	_ =	shalt  }
0x59: {  	_ =	shalt  }
0x5a: {  	_ =	shalt  }
0x5b: {  	_ =	shalt  }
0x5c: {  	_ =	shalt  }
0x5d: {  	_ =	shalt  }
0x5e: {  	_ =	shalt  }
0x5f: {  	_ =	shalt  }
0x60: {  	_ =	shalt  }
0x61: {  	_ =	shalt  }
0x62: {  	_ =	shalt  }
0x63: {  	_ =	shalt  }
0x64: {  	_ =	shalt  }
0x65: {  	_ =	shalt  }
0x66: {  	_ =	shalt  }
0x67: {  	_ =	shalt  }
0x68: {  	_ =	shalt  }
0x69: {  	_ =	shalt  }
0x6a: {  	_ =	shalt  }
0x6b: {  	_ =	shalt  }
0x6c: {  	_ =	shalt  }
0x6d: {  	_ =	shalt  }
0x6e: {  	_ =	shalt  }
0x6f: {  	_ =	shalt  }
0x70: {  	_ =	shalt  }
0x71: {  	_ =	shalt  }
0x72: {  	_ =	shalt  }
0x73: {  	_ =	shalt  }
0x74: {  	_ =	shalt  }
0x75: {  	_ =	shalt  }
0x76: {  	_ =	shalt  }
0x77: {  	_ =	shalt  }
0x78: {  	_ =	shalt  }
0x79: {  	_ =	shalt  }
0x7a: {  	_ =	shalt  }
0x7b: {  	_ =	shalt  }
0x7c: {  	_ =	shalt  }
0x7d: {  	_ =	shalt  }
0x7e: {  	_ =	shalt  }
0x7f: {  	_ =	shalt  }
0x80: {  	_ =	shalt  }
0x81: {  	_ =	shalt  }
0x82: {  	_ =	shalt  }
0x83: {  	_ =	shalt  }
0x84: {  	_ =	shalt  }
0x85: {  	_ =	shalt  }
0x86: {  	_ =	shalt  }
0x87: {  	_ =	shalt  }
.Lfunc_end0:
.L_simem_size_0:
called_computation_lowered:
.L_overlay_start_0:
0x88: {  	s2 =	sld [smem:$0x3FD9]  }
0x89: {  	s3 =	sld [smem:$0x3FFE];
	_ =	sdelay $0x1  }
0x8a: {  	s1 =	srdreg.scid  }
0x8b: {  	s0 =	sand.u32 $0x1, s1  }
0x8c: {  	s16 =	sshll.u32 s0, $0xA;
	s2 =	sadd.s32 s3, s2  }
0x8d: {  	s2 =	sadd.s32 s2, s16  }
0x8e: {  	[smem:$0x3FC6] =	sst s2  }
0x8f: {  	_ = 	snop  }
0x90: {  	(tm) =	ssettm $0x1  }
0x91: {  	s17 =	sld [smem:$0x3FFB];
	_ =	sdelay $0x3  }
0x92: {  	_ =	strace s17  }
0x93: {  	s2 =	sld [smem:$0x3FFC];
	_ =	sdelay $0x3  }
0x94: {  	_ =	strace s2  }
0x95: {  	s2 =	sld [smem:$0x3FFD];
	_ =	sdelay $0x3  }
0x96: {  	_ =	strace s2  }
0x97: {  	_ =	strace $0x8FFFFFFF  }
0x98: {  	s18 =	sld [smem:$0x3FDB];
	_ =	sdelay $0x1  }
0x99: {  	s19 =	simm.s32 $_scs_section_size  }
0x9a: {  	s4 =	simm.s32 $_size__tile_overlayer_lowered;
	s5 =	simm.s32 $_tile_overlayer_lowered  }
0x9b: {  	s22 =	simm.s32 $0x1BFF;
	s21 =	sshll.u32 s5, $0x1;
	s2 =	sadd.s32 s19, s18  }
0x9c: {  	s6 =	simm.s32 $0x0;
	s20 =	sshll.u32 s4, $0x1;
	s4 =	sadd.s32 s21, s2  }
0x9d: {  	[timem:s6], [sflag:s22] =	dma.local [hbm:s4], s20  }
0x9e: {  	_ =	swait.ge [sflag:s22], s20  }
0x9f: {  	s3 =	ssub.s32 $0x0, s20;
	[sflag:s22] =	ssyncset.done $0x0  }
0xa0: {  	[sflag:s22] =	ssyncadd.s32 s3;
	_ =	sdelay $0x1  }
0xa1: {  	s23 =	simm.s32 $0x1B8B  }
0xa2: {  	_ =	swait.ge [sflag:s23], $0x1  }
0xa3: {  	[sflag:s23] =	ssyncset.done $0x0  }
0xa4: {  	s25 =	simm.s32 $0x1B8E;
	s24 =	sld [smem:$0x3FFE];
	[sflag:s23] =	ssyncadd.s32 $0xFFFFFFFF  }
0xa5: {  	s26 =	simm.s32 $execute0_lowered;
	[smem:$0x3FD2] =	sst s25  }
0xa6: {  	s4 =	sshll.u32 s26, $0x1;
	_ =	strace $0x80000046;
	[dreg:$0x1] =	wrdreg $0xFFFFFFFF  }
0xa7: {  	s28 =	simm.s32 $_size_execute0_lowered;
	s2 =	sadd.s32 s2, s4;
	[dreg:$0x0] =	wrdreg $0x0  }
0xa8: {  	s4 =	sshll.u32 s28, $0x1;
	[dreg:$0x2] =	wrdreg s2  }
0xa9: {  	[dreg:$0x3] =	wrdreg s4  }
0xaa: {  	[dreg:$0x4] =	wrdreg $0xC0  }
0xab: {  	_ =	task [dreg:s6], $0x5FFFF  }
0xac: {  	[dreg:$0x1] =	wrdreg $0xFFFFFFFF  }
0xad: {  	[dreg:$0x0] =	wrdreg $0x60  }
0xae: {  	[dreg:$0x2] =	wrdreg s24  }
0xaf: {  	[dreg:$0x3] =	wrdreg $0x9  }
0xb0: {  	_ =	task.clear_ibuf [dreg:s6], $0x4FFFF;
	_ =	strace $0x90000046  }
0xb1: {  	s29 =	simm.s32 $0x9;
	_ =	strace $0x80000048  }
0xb2: {  	_ =	swait.ge [sflag:s29], $0x1  }
0xb3: {  	[sflag:s29] =	ssyncadd.s32 $0xFFFFFFFF  }
0xb4: {  	_ =	strace $0x90000048  }
0xb5: {  	_ =	sfence  }
0xb6: {  	s30 =	sld [smem:$0x0];
	_ =	sdelay $0x2  }
0xb7: {  	s31 =	sshll.u32 s1, $0xD;
	s1 =	sshrl.u32 s1, $0x2  }
0xb8: {  	s3 =	sand.u32 $0x4000, s31;
	s1 =	sadd.s32 s1, s30  }
0xb9: {  	s0 =	sor.u32 s3, s0;
	s1 =	sshll.u32 s1, $0x11  }
0xba: {  	s0 =	sor.u32 s1, s0  }
0xbb: {  	s0 =	sadd.s32 $0x8F2B, s0  }
0xbc: {  	[sflag:s0] =	ssyncadd.remote.s32 $0x1  }
0xbd: {  	_ =	sfence.sel $0xFFFF  }
0xbe: {  	[dreg:$0x0] =	wrdreg $0xFFFFFFFF;
	(pc) =	sbr.abs _section_cstart, $3  }
0xbf: {  	[dreg:$0x1] =	wrdreg $0xFFFFFFFF  }
0xc0: {  	_ =	task.clear_ibuf [dreg:s6], $0x2FFFF;
	_ =	strace $0x9FFFFFFF  }
0xc1: {  	(tm) =	ssettm $0x7FFFFFFF  }
tec
execute0_lowered:
.L_overlay_start_1:
0x0: {  	(tag) =	ssettag $0x1  }
0x1: {  	s3 =	rddreg [dreg:$0x0];
	s2 =	srdreg.scid  }
0x2: {  	s0 =	rddreg [dreg:$0x1];
	s1 =	stileid.u32;
	s10 =	simm.s32 $0x4400  }
0x3: {  	s11 =	simm.s32 $0x1;
	s12 =	simm.s32 $0x2;
	s13 =	simm.s32 $0x0  }
0x4: {  	s5 =	sand.u32 $0x1, s2;
	s2 =	simm.s32 $0x0;
	s4 =	sshll.u32 s1, $0xB  }
0x5: {  	s9 =	sadd.s32 $0x1C00, s3;
	s30 =	sshll.u32 s1, $0x12;
	s6 =	sshll.u32 s5, $0xA  }
0x6: {  	[smem:$0x7FF] =	sst s2;
	s29 =	ssub.s32 $0x2, s5;
	s31 =	sshll.u32 s5, $0x11  }
0x7: {  	s4 =	sor.u32 s6, s4;
	_ =	strace $0x80000047;
	s8 =	sshrl.u32 s29, $0x1  }
0x8: {  	s7 =	sshrl.u32 s4, $0x3;
	s6 =	ssub.s32 s29, s8;
	s4 =	sshll.u32 s4, $0x7  }
0x9: {  	s8 =	simm.s32 $0x3;
	s7 =	sadd.s32 s7, s3;
	s4 =	sadd.s32 s9, s4  }
0xa: {  	v1 =	vlaneseq.u32;
	s6 =	smax.u32 s6, $0x1;
	s3 =	sadd.s32 $0xC00, s7;
	s7 =	sadd.s32 s30, s9  }
0xb: {  	v0 =	vimm.f32 $0.0e+00;
	v2 =	vimm.f32 $1.000000000e+00;
	v1 =	vmul.u32 $0x400, v1;
	s5 =	sadd.s32 $0x800, s4;
	s9 =	simm.s32 $0x400;
	s7 =	sadd.s32 s31, s7  }
.LBB2_1:
0xc: {  	[tilespmem:s2], [sflag:$0x3] =	stream.linear.gather [hbm4b:s3+s2], $0x400, $0x38;
	[tilespmem:$0x8400] =	vst v63  }
0xd: {  	_ =	swait.ge [sflag:s8], $0x400  }
0xe: {  	[sflag:s8] =	ssyncset.done $0x0  }
0xf: {  	s14 =	simm.s32 $0xFFFFFC00;
	s15 =	simm.s32 $0xFFFFF040;
	[sflag:s8] =	ssyncadd.s32 $0xFFFFFC00  }
.LBB2_2:
0x10: {  	p0 =	sne.s32 s15, $0xFFFFFFC0;
	[tilespmem:s14+$0x8400] =	vst v0  }
0x11: {  	[tilespmem:s14+$0x800] =	vst v0  }
0x12: {  	[tilespmem:s14+$0x4800] =	vst v0  }
0x13: {  	[tilespmem:s14+$0xC00] =	vst v0  }
0x14: {  	[tilespmem:s14+$0x4C00] =	vst v0  }
0x15: {  	[tilespmem:s14+$0x1000] =	vst v0  }
0x16: {  	[tilespmem:s14+$0x5000] =	vst v0  }
0x17: {  	[tilespmem:s14+$0x1400] =	vst v0  }
0x18: {  	[tilespmem:s14+$0x5400] =	vst v0  }
0x19: {  	[tilespmem:s14+$0x1800] =	vst v0  }
0x1a: {  	[tilespmem:s14+$0x5800] =	vst v0  }
0x1b: {  	[tilespmem:s14+$0x1C00] =	vst v0  }
0x1c: {  	[tilespmem:s14+$0x5C00] =	vst v0  }
0x1d: {  	[tilespmem:s14+$0x2000] =	vst v0  }
0x1e: {  	[tilespmem:s14+$0x6000] =	vst v0  }
0x1f: {  	[tilespmem:s14+$0x2400] =	vst v0  }
0x20: {  	[tilespmem:s14+$0x6400] =	vst v0  }
0x21: {  	[tilespmem:s14+$0x2800] =	vst v0  }
0x22: {  	[tilespmem:s14+$0x6800] =	vst v0  }
0x23: {  	[tilespmem:s14+$0x2C00] =	vst v0  }
0x24: {  	[tilespmem:s14+$0x6C00] =	vst v0  }
0x25: {  	[tilespmem:s14+$0x3000] =	vst v0  }
0x26: {  	[tilespmem:s14+$0x7000] =	vst v0  }
0x27: {  	[tilespmem:s14+$0x3400] =	vst v0  }
0x28: {  	[tilespmem:s14+$0x7400] =	vst v0  }
0x29: {  	[tilespmem:s14+$0x3800] =	vst v0  }
0x2a: {  	[tilespmem:s14+$0x7800] =	vst v0  }
.Ltmp0:
0x2b: {  	[tilespmem:s14+$0x3C00] =	vst v0;
	(pc) =	sbr.rel @p0 .LBB2_2-.Ltmp0, $4  }
0x2c: {  	[tilespmem:s14+$0x7C00] =	vst v0  }
0x2d: {  	[tilespmem:s14+$0x4000] =	vst v0  }
0x2e: {  	[tilespmem:s14+$0x8000] =	vst v0  }
0x2f: {  	[tilespmem:s14+$0x4400] =	vst v0;
	s14 =	sshra.s32 s15, $0x2;
	s15 =	sadd.s32 $0x40, s15  }
0x30: {  	[tilespmem:s14+$0x8400] =	vst v0  }
0x31: {  	[tilespmem:s14+$0x800] =	vst v0  }
0x32: {  	[tilespmem:s14+$0x4800] =	vst v0  }
0x33: {  	[tilespmem:s14+$0xC00] =	vst v0  }
0x34: {  	[tilespmem:s14+$0x4C00] =	vst v0  }
0x35: {  	[tilespmem:s14+$0x1000] =	vst v0  }
0x36: {  	[tilespmem:s14+$0x5000] =	vst v0  }
0x37: {  	[tilespmem:s14+$0x1400] =	vst v0  }
0x38: {  	[tilespmem:s14+$0x5400] =	vst v0  }
0x39: {  	[tilespmem:s14+$0x1800] =	vst v0  }
0x3a: {  	[tilespmem:s14+$0x5800] =	vst v0  }
0x3b: {  	[tilespmem:s14+$0x1C00] =	vst v0  }
0x3c: {  	[tilespmem:s14+$0x5C00] =	vst v0  }
0x3d: {  	[tilespmem:s14+$0x2000] =	vst v0  }
0x3e: {  	[tilespmem:s14+$0x6000] =	vst v0  }
0x3f: {  	[tilespmem:s14+$0x2400] =	vst v0  }
0x40: {  	[tilespmem:s14+$0x6400] =	vst v0  }
0x41: {  	[tilespmem:s14+$0x2800] =	vst v0  }
0x42: {  	[tilespmem:s14+$0x6800] =	vst v0  }
0x43: {  	[tilespmem:s14+$0x2C00] =	vst v0  }
0x44: {  	[tilespmem:s14+$0x6C00] =	vst v0  }
0x45: {  	[tilespmem:s14+$0x3000] =	vst v0  }
0x46: {  	[tilespmem:s14+$0x7000] =	vst v0  }
0x47: {  	[tilespmem:s14+$0x3400] =	vst v0  }
0x48: {  	[tilespmem:s14+$0x7400] =	vst v0  }
0x49: {  	[tilespmem:s14+$0x3800] =	vst v0  }
0x4a: {  	[tilespmem:s14+$0x7800] =	vst v0  }
0x4b: {  	[tilespmem:s14+$0x3C00] =	vst v0  }
0x4c: {  	[tilespmem:s14+$0x7C00] =	vst v0  }
0x4d: {  	[tilespmem:s14+$0x4000] =	vst v0  }
0x4e: {  	[tilespmem:s14+$0x8000] =	vst v0  }
0x4f: {  	[tilespmem:s14+$0x4400] =	vst v0  }
0x50: {  	v3 =	vld [tilespmem:$0x0];
	_ =	sdelay $0x4  }
0x51: {  	v3 =	vadd.s32 v1, v3;
	_ =	sdelay $0x4  }
0x52: {  	[tilespmem:v3+s9+$0x0] =	vst.idx.msk $0xffff, v2  }
0x53: {  	[hbm4b:s4+s2] =	stream.linear.scatter [tilespmem:s9], [sflag:$0x1], $0x4000, $0x38;
	[tilespmem:$0x8400] =	vst v63  }
0x54: {  	v3 =	vld [tilespmem:$0x10];
	_ =	sdelay $0x4  }
0x55: {  	v3 =	vadd.s32 v1, v3;
	_ =	sdelay $0x4  }
0x56: {  	s14 =	simm.s32 $0xFFFE1000;
	s15 =	simm.s32 $0x20;
	[tilespmem:v3+s10+$0x0] =	vst.idx.msk $0xffff, v2  }
0x57: {  	[hbm4b:s5+s2] =	stream.linear.scatter [tilespmem:s10], [sflag:$0x2], $0x4000, $0x38;
	[tilespmem:$0x8400] =	vst v63  }
.LBB2_4:
0x58: {  	_ =	swait.ge [sflag:s11], $0x4000  }
0x59: {  	[sflag:s11] =	ssyncset.done $0x0  }
0x5a: {  	[sflag:s11] =	ssyncadd.s32 $0xFFFFC000  }
0x5b: {  	v3 =	vld [tilespmem:s15+$0xFFFFFFE0];
	_ =	sdelay $0x4  }
0x5c: {  	v3 =	vadd.s32 v1, v3;
	_ =	sdelay $0x4  }
0x5d: {  	[tilespmem:v3+s9+$0x0] =	vst.idx.msk $0xffff, v0  }
0x5e: {  	v3 =	vld [tilespmem:s15+$0x0];
	_ =	sdelay $0x4  }
0x5f: {  	v3 =	vadd.s32 v1, v3;
	_ =	sdelay $0x3  }
0x60: {  	s16 =	sadd.s32 s14, s7  }
0x61: {  	s17 =	sadd.s32 $0x20000, s16;
	[tilespmem:v3+s9+$0x0] =	vst.idx.msk $0xffff, v2  }
0x62: {  	[hbm4b:s17+s2] =	stream.linear.scatter [tilespmem:s9], [sflag:$0x1], $0x4000, $0x38;
	[tilespmem:$0x8400] =	vst v63  }
0x63: {  	_ =	swait.ge [sflag:s12], $0x4000  }
0x64: {  	[sflag:s12] =	ssyncset.done $0x0  }
0x65: {  	[sflag:s12] =	ssyncadd.s32 $0xFFFFC000  }
0x66: {  	v3 =	vld [tilespmem:s15+$0xFFFFFFF0];
	_ =	sdelay $0x4  }
0x67: {  	v3 =	vadd.s32 v1, v3;
	_ =	sdelay $0x4  }
0x68: {  	[tilespmem:v3+s10+$0x0] =	vst.idx.msk $0xffff, v0  }
0x69: {  	v3 =	vld [tilespmem:s15+$0x10];
	_ =	sdelay $0x4  }
0x6a: {  	v3 =	vadd.s32 v1, v3  }
0x6b: {  	p0 =	sne.s32 s14, $0xFFFFF000  }
.Ltmp1:
0x6c: {  	_ = 	snop;
	(pc) =	sbr.rel @p0 .LBB2_4-.Ltmp1, $3  }
0x6d: {  	_ =	sdelay $0x1  }
0x6e: {  	s14 =	sadd.s32 $0x1000, s14;
	s16 =	sadd.s32 $0x20800, s16;
	s15 =	sadd.s32 $0x20, s15;
	[tilespmem:v3+s10+$0x0] =	vst.idx.msk $0xffff, v2  }
0x6f: {  	[hbm4b:s16+s2] =	stream.linear.scatter [tilespmem:s10], [sflag:$0x2], $0x4000, $0x38;
	[tilespmem:$0x8400] =	vst v63  }
0x70: {  	s13 =	sadd.s32 $0x1, s13  }
0x71: {  	_ =	swait.ge [sflag:s11], $0x4000;
	p0 =	sne.s32 s13, s6  }
.Ltmp2:
0x72: {  	[sflag:s11] =	ssyncset.done $0x0;
	(pc) =	sbr.rel @p0 .LBB2_1-.Ltmp2, $4  }
0x73: {  	[sflag:s11] =	ssyncadd.s32 $0xFFFFC000  }
0x74: {  	_ =	swait.ge [sflag:s12], $0x4000  }
0x75: {  	[sflag:s12] =	ssyncset.done $0x0  }
0x76: {  	[sflag:s12] =	ssyncadd.s32 $0xFFFFC000  }
0x77: {  	_ =	sfence.sel $0x180000  }
0x78: {  	[bflag:$0x0] =	sbarrier.arrive $0xFFFF  }
0x79: {  	p0 =	sne.s32 s1, $0x0;
	_ =	strace $0x90000047  }
0x7a: {  	s0 =	sadd.s32 @!p0 $0x100000, s0;
	[bflag:$0x2] =	sbarrier.arrive $0xFFFF  }
0x7b: {  	[sflag:s0] =	ssyncadd.tile.s32 @!p0 $0x1;
	_ =	shalt  }
.Lfunc_end2:
_tile_overlayer_lowered:
.L_overlay_start_2:
0x7c: {  	(tag) =	ssettag $0x2  }
0x7d: {  	s0 =	rddreg [dreg:$0x0];
	s2 =	stileid.u32  }
0x7e: {  	s1 =	rddreg [dreg:$0x1];
	p0 =	sne.s32 s2, $0x0  }
0x7f: {  	s3 =	rddreg [dreg:$0x2];
	[bflag:$0x3] =	sbarrier.arrive $0xFFFF;
	s2 =	simm.s32 @!p0 $0x1C03  }
0x80: {  	[timem:s3], [sflag:s2] =	dma.local @!p0 [hbm:s0], s1  }
0x81: {  	s0 =	simm.s32 @!p0 $0x3  }
0x82: {  	_ =	swait.ge @!p0 [sflag:s0], s1  }
0x83: {  	s1 =	ssub.s32 @!p0 $0x0, s1;
	[sflag:s0] =	ssyncset.done @!p0 $0x0  }
0x84: {  	[sflag:s0] =	ssyncadd.s32 @!p0 s1  }
0x85: {  	[bflag:$0x3] =	sbarrier.arrive $0xFFFF  }
0x86: {  	_ =	shalt  }

</sc_bundles>
